<compile_context>
chip_gen: v7x
topology: tpu7x:2x2x1
jax: 0.10.2.dev20260603
libtpu: 0.0.44.dev20260713+nightly
codegen_flags: <defaults>
</compile_context>

<pallas_src>
import functools

import jax
import jax.numpy as jnp
from jax import lax
from jax.experimental import pallas as pl
from jax.experimental.pallas import tpu as pltpu
from jax.experimental.pallas import tpu_sc as plsc

D_MODEL = 768
BATCH = 4
SEQ = 2048
N_TOKENS = BATCH * SEQ

_info = plsc.get_sparse_core_info()
_NC, _NS = _info.num_cores, _info.num_subcores
_NW = _NC * _NS
_B_PER_W = N_TOKENS // _NW
_W_PER_ROW = SEQ // _B_PER_W
_CHUNK = 32
_NCHUNK = _B_PER_W // _CHUNK
_NBUF = 4
_LOOKAHEAD = _NBUF


def _sc_gather(table, tokens):
    mesh = plsc.VectorSubcoreMesh(core_axis_name="c", subcore_axis_name="s")

    @functools.partial(
        pl.kernel,
        mesh=mesh,
        out_type=jax.ShapeDtypeStruct((BATCH, SEQ, D_MODEL), jnp.float32),
        scratch_types=[
            pltpu.VMEM((_B_PER_W,), jnp.int32),
            pltpu.VMEM((_NBUF, _CHUNK, D_MODEL), jnp.float32),
            pltpu.SemaphoreType.DMA,
        ] + [pltpu.SemaphoreType.DMA] * (2 * _NBUF),
    )
    def k(table_hbm, idx_hbm, out_hbm, idx_v, rows_v, isem, *sems):
        wid = lax.axis_index("s") * _NC + lax.axis_index("c")
        base = wid * _B_PER_W
        row = wid // _W_PER_ROW
        col = (wid % _W_PER_ROW) * _B_PER_W
        gsem = sems[:_NBUF]
        wsem = sems[_NBUF:]
        pltpu.sync_copy(
            idx_hbm.at[pl.ds(base, _CHUNK)], idx_v.at[pl.ds(0, _CHUNK)]
        )
        rest = pltpu.async_copy(
            idx_hbm.at[pl.ds(base + _CHUNK, _B_PER_W - _CHUNK)],
            idx_v.at[pl.ds(_CHUNK, _B_PER_W - _CHUNK)],
            isem,
        )

        def gather(c):
            return pltpu.async_copy(
                table_hbm.at[idx_v.at[pl.ds(c * _CHUNK, _CHUNK)]],
                rows_v.at[c % _NBUF],
                gsem[c % _NBUF],
            )

        def writeback(c):
            return pltpu.async_copy(
                rows_v.at[c % _NBUF],
                out_hbm.at[row, pl.ds(col + c * _CHUNK, _CHUNK)],
                wsem[c % _NBUF],
            )

        gathers = [None] * _NCHUNK
        writes = [None] * _NCHUNK
        gathers[0] = gather(0)
        rest.wait()
        for c in range(1, _LOOKAHEAD):
            gathers[c] = gather(c)
        for c in range(_NCHUNK):
            gathers[c].wait()
            writes[c] = writeback(c)
            nxt = c + _LOOKAHEAD
            if nxt < _NCHUNK:
                prev = nxt - _NBUF
                if prev >= 0:
                    writes[prev].wait()
                gathers[nxt] = gather(nxt)
        for c in range(max(0, _NCHUNK - _NBUF), _NCHUNK):
            writes[c].wait()

    return k(table, tokens)


def kernel(tokens, table):
    if tokens.dtype != jnp.int32:
        tokens = tokens.astype(jnp.int32)
    return _sc_gather(table, tokens.reshape(-1))

# --- scband reference (transcript-rebuilt; emitter-appended) ---
"""Pipeline reference for scband-token-embedder-7739531067452 (READ-ONLY COPY).

The authoritative reference and input builder live on the scoring server;
editing this copy changes nothing except your own understanding.
"""

import jax, jax.numpy as jnp
import numpy as np

VOCAB = 50257
D_MODEL = 768

def setup_inputs(seed: int = 0) -> dict:
    key = jax.random.key(seed)
    k_tok, k_tab = jax.random.split(key)
    tokens = jax.random.randint(k_tok, (4, 2048), 0, VOCAB, dtype=jnp.int64 if jax.config.jax_enable_x64 else jnp.int32)
    table = jax.random.normal(k_tab, (VOCAB, D_MODEL), dtype=jnp.float32)
    return {"tokens": tokens, "table": table}

def reference(tokens, table):
    # nn.Embedding forward: row gather from the embedding table
    return jnp.take(table, tokens, axis=0)

if __name__ == "__main__":
    import jax
    _d = setup_inputs()
    print(jax.jit(kernel)(*tuple(_d.values())))

</pallas_src>

<mosaic_0001>
#map = affine_map<(d0, d1) -> (0, 0)>
#map1 = affine_map<(d0, d1) -> (0)>
#map2 = affine_map<(d0, d1) -> (0, 0, 0)>
module attributes {stable_mosaic.version = 14 : i64} {
  func.func @k(%arg0: i32, %arg1: i32, %arg2: memref<50257x768xf32, #tpu.memory_space<hbm>>, %arg3: memref<8192xi32, #tpu.memory_space<hbm>>, %arg4: memref<4x2048x768xf32, #tpu.memory_space<hbm>>, %arg5: memref<256xi32, #tpu.memory_space<vmem>>, %arg6: memref<4x32x768xf32, #tpu.memory_space<vmem>>, %arg7: memref<!tpu.dma_semaphore, #tpu.memory_space<semaphore_mem>>, %arg8: memref<!tpu.dma_semaphore, #tpu.memory_space<semaphore_mem>>, %arg9: memref<!tpu.dma_semaphore, #tpu.memory_space<semaphore_mem>>, %arg10: memref<!tpu.dma_semaphore, #tpu.memory_space<semaphore_mem>>, %arg11: memref<!tpu.dma_semaphore, #tpu.memory_space<semaphore_mem>>, %arg12: memref<!tpu.dma_semaphore, #tpu.memory_space<semaphore_mem>>, %arg13: memref<!tpu.dma_semaphore, #tpu.memory_space<semaphore_mem>>, %arg14: memref<!tpu.dma_semaphore, #tpu.memory_space<semaphore_mem>>, %arg15: memref<!tpu.dma_semaphore, #tpu.memory_space<semaphore_mem>>) attributes {dimension_semantics = [#tpu.dimension_semantics<core_parallel>, #tpu.dimension_semantics<subcore_parallel>], iteration_bounds = array<i64: 2, 16>, scalar_prefetch = 0 : i64, scratch_operands = 11 : i64, tpu.core_type = #tpu.core_type<sc_vector_subcore>, window_params = [{transform_indices = #map}, {transform_indices = #map1}, {transform_indices = #map2}]} {
    %mul3A = arith.constant 2 : i32
    %mul3A_0 = arith.muli %arg1, %mul3A : i32
    %add3A = arith.addi %mul3A_0, %arg0 : i32
    %mul3A_1 = arith.constant 256 : i32
    %mul3A_2 = arith.muli %add3A, %mul3A_1 : i32
    %jit3A = arith.constant 8 : i32
    %div3A = arith.divsi %add3A, %jit3A : i32
    %sign3A = arith.constant 0 : i32
    %sign3A_3 = arith.cmpi sgt, %add3A, %sign3A : i32
    %sign3A_4 = arith.extui %sign3A_3 : i1 to i32
    %sign3A_5 = arith.constant 0 : i32
    %sign3A_6 = arith.cmpi slt, %add3A, %sign3A_5 : i32
    %sign3A_7 = arith.extui %sign3A_6 : i1 to i32
    %sign3A_8 = arith.subi %sign3A_4, %sign3A_7 : i32
    %sign3A_9 = arith.constant 0 : i32
    %sign3A_10 = arith.cmpi sgt, %jit3A, %sign3A_9 : i32
    %sign3A_11 = arith.extui %sign3A_10 : i1 to i32
    %sign3A_12 = arith.constant 0 : i32
    %sign3A_13 = arith.cmpi slt, %jit3A, %sign3A_12 : i32
    %sign3A_14 = arith.extui %sign3A_13 : i1 to i32
    %sign3A_15 = arith.subi %sign3A_11, %sign3A_14 : i32
    %ne3A = arith.cmpi ne, %sign3A_8, %sign3A_15 : i32
    %rem3A = arith.remsi %add3A, %jit3A : i32
    %ne3A_16 = arith.constant 0 : i32
    %ne3A_17 = arith.cmpi ne, %rem3A, %ne3A_16 : i32
    %and3A = arith.andi %ne3A, %ne3A_17 : i1
    %sub3A = arith.constant 1 : i32
    %sub3A_18 = arith.subi %div3A, %sub3A : i32
    %select_n3A = arith.select %and3A, %sub3A_18, %div3A : i32
    %jit3A_19 = arith.constant 8 : i32
    %eq3A = arith.constant 0 : i32
    %eq3A_20 = arith.cmpi eq, %jit3A_19, %eq3A : i32
    %jit3A_21 = arith.constant 1 : i32
    %select_n3A_22 = arith.select %eq3A_20, %jit3A_21, %jit3A_19 : i32
    %rem3A_23 = arith.remsi %add3A, %select_n3A_22 : i32
    %ne3A_24 = arith.constant 0 : i32
    %ne3A_25 = arith.cmpi ne, %rem3A_23, %ne3A_24 : i32
    %lt3A = arith.constant 0 : i32
    %lt3A_26 = arith.cmpi slt, %rem3A_23, %lt3A : i32
    %lt3A_27 = arith.constant 0 : i32
    %lt3A_28 = arith.cmpi slt, %select_n3A_22, %lt3A_27 : i32
    %ne3A_29 = arith.xori %lt3A_26, %lt3A_28 : i1
    %and3A_30 = arith.andi %ne3A_29, %ne3A_25 : i1
    %add3A_31 = arith.addi %rem3A_23, %select_n3A_22 : i32
    %select_n3A_32 = arith.select %and3A_30, %add3A_31, %rem3A_23 : i32
    %mul3A_33 = arith.constant 256 : i32
    %mul3A_34 = arith.muli %select_n3A_32, %mul3A_33 : i32
    "tpu.region"() ({
      %run_scoped3A = tpu.sem_alloc : memref<!tpu.dma_semaphore, #tpu.memory_space<semaphore_mem>>
      %dma_start3A_463 = arith.constant 0 : i32
      %dma_start3A_464 = tpu.memref_slice %arg5[%dma_start3A_463] : memref<256xi32, #tpu.memory_space<vmem>> -> memref<32xi32, #tpu.memory_space<vmem>>
      %dma_start3A_465 = tpu.memref_slice %arg3[%mul3A_2] : memref<8192xi32, #tpu.memory_space<hbm>> -> memref<32xi32, #tpu.memory_space<hbm>>
      %dma_start3A_466 = arith.constant 0 : i32
      %dma_start3A_467 = tpu.memref_slice %arg5[%dma_start3A_466] : memref<256xi32, #tpu.memory_space<vmem>> -> memref<32xi32, #tpu.memory_space<vmem>>
      %dma_start3A_468 = tpu.memref_slice %arg3[%mul3A_2] : memref<8192xi32, #tpu.memory_space<hbm>> -> memref<32xi32, #tpu.memory_space<hbm>>
      tpu.enqueue_dma source(%dma_start3A_468 : memref<32xi32, #tpu.memory_space<hbm>>) target(%dma_start3A_467 : memref<32xi32, #tpu.memory_space<vmem>>) target_semaphore(%run_scoped3A : memref<!tpu.dma_semaphore, #tpu.memory_space<semaphore_mem>>)
      %dma_wait3A_469 = arith.constant 0 : i32
      %dma_wait3A_470 = tpu.memref_slice %arg5[%dma_wait3A_469] : memref<256xi32, #tpu.memory_space<vmem>> -> memref<32xi32, #tpu.memory_space<vmem>>
      %dma_wait3A_471 = tpu.memref_slice %arg3[%mul3A_2] : memref<8192xi32, #tpu.memory_space<hbm>> -> memref<32xi32, #tpu.memory_space<hbm>>
      %dma_wait3A_472 = arith.constant 0 : i32
      %dma_wait3A_473 = tpu.memref_slice %arg5[%dma_wait3A_472] : memref<256xi32, #tpu.memory_space<vmem>> -> memref<32xi32, #tpu.memory_space<vmem>>
      %dma_wait3A_474 = tpu.memref_slice %arg3[%mul3A_2] : memref<8192xi32, #tpu.memory_space<hbm>> -> memref<32xi32, #tpu.memory_space<hbm>>
      tpu.wait_dma2 semaphore(%run_scoped3A : memref<!tpu.dma_semaphore, #tpu.memory_space<semaphore_mem>>) src(%dma_wait3A_474 : memref<32xi32, #tpu.memory_space<hbm>>) dst(%dma_wait3A_473 : memref<32xi32, #tpu.memory_space<vmem>>)
      tpu.yield
    }) : () -> ()
    %add3A_35 = arith.constant 32 : i32
    %add3A_36 = arith.addi %mul3A_2, %add3A_35 : i32
    %dma_start3A = arith.constant 32 : i32
    %dma_start3A_37 = tpu.memref_slice %arg5[%dma_start3A] : memref<256xi32, #tpu.memory_space<vmem>> -> memref<224xi32, #tpu.memory_space<vmem>>
    %dma_start3A_38 = tpu.memref_slice %arg3[%add3A_36] : memref<8192xi32, #tpu.memory_space<hbm>> -> memref<224xi32, #tpu.memory_space<hbm>>
    %dma_start3A_39 = arith.constant 32 : i32
    %dma_start3A_40 = tpu.memref_slice %arg5[%dma_start3A_39] : memref<256xi32, #tpu.memory_space<vmem>> -> memref<224xi32, #tpu.memory_space<vmem>>
    %dma_start3A_41 = tpu.memref_slice %arg3[%add3A_36] : memref<8192xi32, #tpu.memory_space<hbm>> -> memref<224xi32, #tpu.memory_space<hbm>>
    tpu.enqueue_dma source(%dma_start3A_41 : memref<224xi32, #tpu.memory_space<hbm>>) target(%dma_start3A_40 : memref<224xi32, #tpu.memory_space<vmem>>) target_semaphore(%arg7 : memref<!tpu.dma_semaphore, #tpu.memory_space<semaphore_mem>>)
    %dma_start3A_42 = arith.constant 0 : i32
    %dma_start3A_43 = arith.constant 0 : i32
    %dma_start3A_44 = arith.constant 0 : i32
    %dma_start3A_45 = tpu.memref_slice %arg6[%dma_start3A_42, %dma_start3A_43, %dma_start3A_44] : memref<4x32x768xf32, #tpu.memory_space<vmem>> -> memref<1x32x768xf32, #tpu.memory_space<vmem>>
    %dma_start3A_46 = tpu.memref_squeeze %dma_start3A_45 : memref<1x32x768xf32, #tpu.memory_space<vmem>> -> memref<32x768xf32, #tpu.memory_space<vmem>>
    %dma_start3A_47 = arith.constant 0 : i32
    %dma_start3A_48 = tpu.memref_slice %arg5[%dma_start3A_47] : memref<256xi32, #tpu.memory_space<vmem>> -> memref<32xi32, #tpu.memory_space<vmem>>
    %dma_start3A_49 = arith.constant 0 : i32
    %dma_start3A_50 = arith.constant 0 : i32
    %dma_start3A_51 = tpu.memref_slice %arg2[%dma_start3A_49, %dma_start3A_50] : memref<50257x768xf32, #tpu.memory_space<hbm>> -> memref<50257x768xf32, #tpu.memory_space<hbm>>
    tpu.enqueue_indirect_dma source(%dma_start3A_51 : memref<50257x768xf32, #tpu.memory_space<hbm>>) target(%dma_start3A_46 : memref<32x768xf32, #tpu.memory_space<vmem>>) offsets(%dma_start3A_48 : memref<32xi32, #tpu.memory_space<vmem>>) semaphore(%arg8 : memref<!tpu.dma_semaphore, #tpu.memory_space<semaphore_mem>>)
    %dma_wait3A = arith.constant 32 : i32
    %dma_wait3A_52 = tpu.memref_slice %arg5[%dma_wait3A] : memref<256xi32, #tpu.memory_space<vmem>> -> memref<224xi32, #tpu.memory_space<vmem>>
    %dma_wait3A_53 = tpu.memref_slice %arg3[%add3A_36] : memref<8192xi32, #tpu.memory_space<hbm>> -> memref<224xi32, #tpu.memory_space<hbm>>
    %dma_wait3A_54 = arith.constant 32 : i32
    %dma_wait3A_55 = tpu.memref_slice %arg5[%dma_wait3A_54] : memref<256xi32, #tpu.memory_space<vmem>> -> memref<224xi32, #tpu.memory_space<vmem>>
    %dma_wait3A_56 = tpu.memref_slice %arg3[%add3A_36] : memref<8192xi32, #tpu.memory_space<hbm>> -> memref<224xi32, #tpu.memory_space<hbm>>
    tpu.wait_dma2 semaphore(%arg7 : memref<!tpu.dma_semaphore, #tpu.memory_space<semaphore_mem>>) src(%dma_wait3A_56 : memref<224xi32, #tpu.memory_space<hbm>>) dst(%dma_wait3A_55 : memref<224xi32, #tpu.memory_space<vmem>>)
    %dma_start3A_57 = arith.constant 1 : i32
    %dma_start3A_58 = arith.constant 0 : i32
    %dma_start3A_59 = arith.constant 0 : i32
    %dma_start3A_60 = tpu.memref_slice %arg6[%dma_start3A_57, %dma_start3A_58, %dma_start3A_59] : memref<4x32x768xf32, #tpu.memory_space<vmem>> -> memref<1x32x768xf32, #tpu.memory_space<vmem>>
    %dma_start3A_61 = tpu.memref_squeeze %dma_start3A_60 : memref<1x32x768xf32, #tpu.memory_space<vmem>> -> memref<32x768xf32, #tpu.memory_space<vmem>>
    %dma_start3A_62 = arith.constant 32 : i32
    %dma_start3A_63 = tpu.memref_slice %arg5[%dma_start3A_62] : memref<256xi32, #tpu.memory_space<vmem>> -> memref<32xi32, #tpu.memory_space<vmem>>
    %dma_start3A_64 = arith.constant 0 : i32
    %dma_start3A_65 = arith.constant 0 : i32
    %dma_start3A_66 = tpu.memref_slice %arg2[%dma_start3A_64, %dma_start3A_65] : memref<50257x768xf32, #tpu.memory_space<hbm>> -> memref<50257x768xf32, #tpu.memory_space<hbm>>
    tpu.enqueue_indirect_dma source(%dma_start3A_66 : memref<50257x768xf32, #tpu.memory_space<hbm>>) target(%dma_start3A_61 : memref<32x768xf32, #tpu.memory_space<vmem>>) offsets(%dma_start3A_63 : memref<32xi32, #tpu.memory_space<vmem>>) semaphore(%arg9 : memref<!tpu.dma_semaphore, #tpu.memory_space<semaphore_mem>>)
    %dma_start3A_67 = arith.constant 2 : i32
    %dma_start3A_68 = arith.constant 0 : i32
    %dma_start3A_69 = arith.constant 0 : i32
    %dma_start3A_70 = tpu.memref_slice %arg6[%dma_start3A_67, %dma_start3A_68, %dma_start3A_69] : memref<4x32x768xf32, #tpu.memory_space<vmem>> -> memref<1x32x768xf32, #tpu.memory_space<vmem>>
    %dma_start3A_71 = tpu.memref_squeeze %dma_start3A_70 : memref<1x32x768xf32, #tpu.memory_space<vmem>> -> memref<32x768xf32, #tpu.memory_space<vmem>>
    %dma_start3A_72 = arith.constant 64 : i32
    %dma_start3A_73 = tpu.memref_slice %arg5[%dma_start3A_72] : memref<256xi32, #tpu.memory_space<vmem>> -> memref<32xi32, #tpu.memory_space<vmem>>
    %dma_start3A_74 = arith.constant 0 : i32
    %dma_start3A_75 = arith.constant 0 : i32
    %dma_start3A_76 = tpu.memref_slice %arg2[%dma_start3A_74, %dma_start3A_75] : memref<50257x768xf32, #tpu.memory_space<hbm>> -> memref<50257x768xf32, #tpu.memory_space<hbm>>
    tpu.enqueue_indirect_dma source(%dma_start3A_76 : memref<50257x768xf32, #tpu.memory_space<hbm>>) target(%dma_start3A_71 : memref<32x768xf32, #tpu.memory_space<vmem>>) offsets(%dma_start3A_73 : memref<32xi32, #tpu.memory_space<vmem>>) semaphore(%arg10 : memref<!tpu.dma_semaphore, #tpu.memory_space<semaphore_mem>>)
    %dma_start3A_77 = arith.constant 3 : i32
    %dma_start3A_78 = arith.constant 0 : i32
    %dma_start3A_79 = arith.constant 0 : i32
    %dma_start3A_80 = tpu.memref_slice %arg6[%dma_start3A_77, %dma_start3A_78, %dma_start3A_79] : memref<4x32x768xf32, #tpu.memory_space<vmem>> -> memref<1x32x768xf32, #tpu.memory_space<vmem>>
    %dma_start3A_81 = tpu.memref_squeeze %dma_start3A_80 : memref<1x32x768xf32, #tpu.memory_space<vmem>> -> memref<32x768xf32, #tpu.memory_space<vmem>>
    %dma_start3A_82 = arith.constant 96 : i32
    %dma_start3A_83 = tpu.memref_slice %arg5[%dma_start3A_82] : memref<256xi32, #tpu.memory_space<vmem>> -> memref<32xi32, #tpu.memory_space<vmem>>
    %dma_start3A_84 = arith.constant 0 : i32
    %dma_start3A_85 = arith.constant 0 : i32
    %dma_start3A_86 = tpu.memref_slice %arg2[%dma_start3A_84, %dma_start3A_85] : memref<50257x768xf32, #tpu.memory_space<hbm>> -> memref<50257x768xf32, #tpu.memory_space<hbm>>
    tpu.enqueue_indirect_dma source(%dma_start3A_86 : memref<50257x768xf32, #tpu.memory_space<hbm>>) target(%dma_start3A_81 : memref<32x768xf32, #tpu.memory_space<vmem>>) offsets(%dma_start3A_83 : memref<32xi32, #tpu.memory_space<vmem>>) semaphore(%arg11 : memref<!tpu.dma_semaphore, #tpu.memory_space<semaphore_mem>>)
    %dma_wait3A_87 = arith.constant 0 : i32
    %dma_wait3A_88 = arith.constant 0 : i32
    %dma_wait3A_89 = arith.constant 0 : i32
    %dma_wait3A_90 = tpu.memref_slice %arg6[%dma_wait3A_87, %dma_wait3A_88, %dma_wait3A_89] : memref<4x32x768xf32, #tpu.memory_space<vmem>> -> memref<1x32x768xf32, #tpu.memory_space<vmem>>
    %dma_wait3A_91 = tpu.memref_squeeze %dma_wait3A_90 : memref<1x32x768xf32, #tpu.memory_space<vmem>> -> memref<32x768xf32, #tpu.memory_space<vmem>>
    %dma_wait3A_92 = arith.constant 0 : i32
    %dma_wait3A_93 = tpu.memref_slice %arg5[%dma_wait3A_92] : memref<256xi32, #tpu.memory_space<vmem>> -> memref<32xi32, #tpu.memory_space<vmem>>
    %dma_wait3A_94 = arith.constant 0 : i32
    %dma_wait3A_95 = arith.constant 0 : i32
    %dma_wait3A_96 = tpu.memref_slice %arg2[%dma_wait3A_94, %dma_wait3A_95] : memref<50257x768xf32, #tpu.memory_space<hbm>> -> memref<50257x768xf32, #tpu.memory_space<hbm>>
    tpu.wait_indirect_dma semaphore(%arg8 : memref<!tpu.dma_semaphore, #tpu.memory_space<semaphore_mem>>) src(%dma_wait3A_96 : memref<50257x768xf32, #tpu.memory_space<hbm>>) dst(%dma_wait3A_91 : memref<32x768xf32, #tpu.memory_space<vmem>>)
    %add3A_97 = arith.constant 0 : i32
    %add3A_98 = arith.addi %mul3A_34, %add3A_97 : i32
    %dma_start3A_99 = arith.constant 0 : i32
    %dma_start3A_100 = arith.constant 0 : i32
    %dma_start3A_101 = arith.constant 0 : i32
    %dma_start3A_102 = tpu.memref_slice %arg6[%dma_start3A_99, %dma_start3A_100, %dma_start3A_101] : memref<4x32x768xf32, #tpu.memory_space<vmem>> -> memref<1x32x768xf32, #tpu.memory_space<vmem>>
    %dma_start3A_103 = tpu.memref_squeeze %dma_start3A_102 : memref<1x32x768xf32, #tpu.memory_space<vmem>> -> memref<32x768xf32, #tpu.memory_space<vmem>>
    %dma_start3A_104 = arith.constant 0 : i32
    %dma_start3A_105 = tpu.memref_slice %arg4[%select_n3A, %add3A_98, %dma_start3A_104] : memref<4x2048x768xf32, #tpu.memory_space<hbm>> -> memref<1x32x768xf32, #tpu.memory_space<hbm>>
    %dma_start3A_106 = tpu.memref_squeeze %dma_start3A_105 : memref<1x32x768xf32, #tpu.memory_space<hbm>> -> memref<32x768xf32, #tpu.memory_space<hbm>>
    %dma_start3A_107 = arith.constant 0 : i32
    %dma_start3A_108 = tpu.memref_slice %arg4[%select_n3A, %add3A_98, %dma_start3A_107] : memref<4x2048x768xf32, #tpu.memory_space<hbm>> -> memref<1x32x768xf32, #tpu.memory_space<hbm>>
    %dma_start3A_109 = tpu.memref_squeeze %dma_start3A_108 : memref<1x32x768xf32, #tpu.memory_space<hbm>> -> memref<32x768xf32, #tpu.memory_space<hbm>>
    %dma_start3A_110 = arith.constant 0 : i32
    %dma_start3A_111 = arith.constant 0 : i32
    %dma_start3A_112 = tpu.memref_slice %arg6[%dma_start3A_99, %dma_start3A_110, %dma_start3A_111] : memref<4x32x768xf32, #tpu.memory_space<vmem>> -> memref<1x32x768xf32, #tpu.memory_space<vmem>>
    %dma_start3A_113 = tpu.memref_squeeze %dma_start3A_112 : memref<1x32x768xf32, #tpu.memory_space<vmem>> -> memref<32x768xf32, #tpu.memory_space<vmem>>
    tpu.enqueue_dma source(%dma_start3A_113 : memref<32x768xf32, #tpu.memory_space<vmem>>) target(%dma_start3A_109 : memref<32x768xf32, #tpu.memory_space<hbm>>) target_semaphore(%arg12 : memref<!tpu.dma_semaphore, #tpu.memory_space<semaphore_mem>>)
    %dma_wait3A_114 = arith.constant 0 : i32
    %dma_wait3A_115 = arith.constant 0 : i32
    %dma_wait3A_116 = arith.constant 0 : i32
    %dma_wait3A_117 = tpu.memref_slice %arg6[%dma_wait3A_114, %dma_wait3A_115, %dma_wait3A_116] : memref<4x32x768xf32, #tpu.memory_space<vmem>> -> memref<1x32x768xf32, #tpu.memory_space<vmem>>
    %dma_wait3A_118 = tpu.memref_squeeze %dma_wait3A_117 : memref<1x32x768xf32, #tpu.memory_space<vmem>> -> memref<32x768xf32, #tpu.memory_space<vmem>>
    %dma_wait3A_119 = arith.constant 0 : i32
    %dma_wait3A_120 = tpu.memref_slice %arg4[%select_n3A, %add3A_98, %dma_wait3A_119] : memref<4x2048x768xf32, #tpu.memory_space<hbm>> -> memref<1x32x768xf32, #tpu.memory_space<hbm>>
    %dma_wait3A_121 = tpu.memref_squeeze %dma_wait3A_120 : memref<1x32x768xf32, #tpu.memory_space<hbm>> -> memref<32x768xf32, #tpu.memory_space<hbm>>
    %dma_wait3A_122 = arith.constant 0 : i32
    %dma_wait3A_123 = tpu.memref_slice %arg4[%select_n3A, %add3A_98, %dma_wait3A_122] : memref<4x2048x768xf32, #tpu.memory_space<hbm>> -> memref<1x32x768xf32, #tpu.memory_space<hbm>>
    %dma_wait3A_124 = tpu.memref_squeeze %dma_wait3A_123 : memref<1x32x768xf32, #tpu.memory_space<hbm>> -> memref<32x768xf32, #tpu.memory_space<hbm>>
    %dma_wait3A_125 = arith.constant 0 : i32
    %dma_wait3A_126 = arith.constant 0 : i32
    %dma_wait3A_127 = tpu.memref_slice %arg6[%dma_wait3A_114, %dma_wait3A_125, %dma_wait3A_126] : memref<4x32x768xf32, #tpu.memory_space<vmem>> -> memref<1x32x768xf32, #tpu.memory_space<vmem>>
    %dma_wait3A_128 = tpu.memref_squeeze %dma_wait3A_127 : memref<1x32x768xf32, #tpu.memory_space<vmem>> -> memref<32x768xf32, #tpu.memory_space<vmem>>
    tpu.wait_dma2 semaphore(%arg12 : memref<!tpu.dma_semaphore, #tpu.memory_space<semaphore_mem>>) src(%dma_wait3A_128 : memref<32x768xf32, #tpu.memory_space<vmem>>) dst(%dma_wait3A_124 : memref<32x768xf32, #tpu.memory_space<hbm>>)
    %dma_start3A_129 = arith.constant 0 : i32
    %dma_start3A_130 = arith.constant 0 : i32
    %dma_start3A_131 = arith.constant 0 : i32
    %dma_start3A_132 = tpu.memref_slice %arg6[%dma_start3A_129, %dma_start3A_130, %dma_start3A_131] : memref<4x32x768xf32, #tpu.memory_space<vmem>> -> memref<1x32x768xf32, #tpu.memory_space<vmem>>
    %dma_start3A_133 = tpu.memref_squeeze %dma_start3A_132 : memref<1x32x768xf32, #tpu.memory_space<vmem>> -> memref<32x768xf32, #tpu.memory_space<vmem>>
    %dma_start3A_134 = arith.constant 128 : i32
    %dma_start3A_135 = tpu.memref_slice %arg5[%dma_start3A_134] : memref<256xi32, #tpu.memory_space<vmem>> -> memref<32xi32, #tpu.memory_space<vmem>>
    %dma_start3A_136 = arith.constant 0 : i32
    %dma_start3A_137 = arith.constant 0 : i32
    %dma_start3A_138 = tpu.memref_slice %arg2[%dma_start3A_136, %dma_start3A_137] : memref<50257x768xf32, #tpu.memory_space<hbm>> -> memref<50257x768xf32, #tpu.memory_space<hbm>>
    tpu.enqueue_indirect_dma source(%dma_start3A_138 : memref<50257x768xf32, #tpu.memory_space<hbm>>) target(%dma_start3A_133 : memref<32x768xf32, #tpu.memory_space<vmem>>) offsets(%dma_start3A_135 : memref<32xi32, #tpu.memory_space<vmem>>) semaphore(%arg8 : memref<!tpu.dma_semaphore, #tpu.memory_space<semaphore_mem>>)
    %dma_wait3A_139 = arith.constant 1 : i32
    %dma_wait3A_140 = arith.constant 0 : i32
    %dma_wait3A_141 = arith.constant 0 : i32
    %dma_wait3A_142 = tpu.memref_slice %arg6[%dma_wait3A_139, %dma_wait3A_140, %dma_wait3A_141] : memref<4x32x768xf32, #tpu.memory_space<vmem>> -> memref<1x32x768xf32, #tpu.memory_space<vmem>>
    %dma_wait3A_143 = tpu.memref_squeeze %dma_wait3A_142 : memref<1x32x768xf32, #tpu.memory_space<vmem>> -> memref<32x768xf32, #tpu.memory_space<vmem>>
    %dma_wait3A_144 = arith.constant 32 : i32
    %dma_wait3A_145 = tpu.memref_slice %arg5[%dma_wait3A_144] : memref<256xi32, #tpu.memory_space<vmem>> -> memref<32xi32, #tpu.memory_space<vmem>>
    %dma_wait3A_146 = arith.constant 0 : i32
    %dma_wait3A_147 = arith.constant 0 : i32
    %dma_wait3A_148 = tpu.memref_slice %arg2[%dma_wait3A_146, %dma_wait3A_147] : memref<50257x768xf32, #tpu.memory_space<hbm>> -> memref<50257x768xf32, #tpu.memory_space<hbm>>
    tpu.wait_indirect_dma semaphore(%arg9 : memref<!tpu.dma_semaphore, #tpu.memory_space<semaphore_mem>>) src(%dma_wait3A_148 : memref<50257x768xf32, #tpu.memory_space<hbm>>) dst(%dma_wait3A_143 : memref<32x768xf32, #tpu.memory_space<vmem>>)
    %add3A_149 = arith.constant 32 : i32
    %add3A_150 = arith.addi %mul3A_34, %add3A_149 : i32
    %dma_start3A_151 = arith.constant 1 : i32
    %dma_start3A_152 = arith.constant 0 : i32
    %dma_start3A_153 = arith.constant 0 : i32
    %dma_start3A_154 = tpu.memref_slice %arg6[%dma_start3A_151, %dma_start3A_152, %dma_start3A_153] : memref<4x32x768xf32, #tpu.memory_space<vmem>> -> memref<1x32x768xf32, #tpu.memory_space<vmem>>
    %dma_start3A_155 = tpu.memref_squeeze %dma_start3A_154 : memref<1x32x768xf32, #tpu.memory_space<vmem>> -> memref<32x768xf32, #tpu.memory_space<vmem>>
    %dma_start3A_156 = arith.constant 0 : i32
    %dma_start3A_157 = tpu.memref_slice %arg4[%select_n3A, %add3A_150, %dma_start3A_156] : memref<4x2048x768xf32, #tpu.memory_space<hbm>> -> memref<1x32x768xf32, #tpu.memory_space<hbm>>
    %dma_start3A_158 = tpu.memref_squeeze %dma_start3A_157 : memref<1x32x768xf32, #tpu.memory_space<hbm>> -> memref<32x768xf32, #tpu.memory_space<hbm>>
    %dma_start3A_159 = arith.constant 0 : i32
    %dma_start3A_160 = tpu.memref_slice %arg4[%select_n3A, %add3A_150, %dma_start3A_159] : memref<4x2048x768xf32, #tpu.memory_space<hbm>> -> memref<1x32x768xf32, #tpu.memory_space<hbm>>
    %dma_start3A_161 = tpu.memref_squeeze %dma_start3A_160 : memref<1x32x768xf32, #tpu.memory_space<hbm>> -> memref<32x768xf32, #tpu.memory_space<hbm>>
    %dma_start3A_162 = arith.constant 0 : i32
    %dma_start3A_163 = arith.constant 0 : i32
    %dma_start3A_164 = tpu.memref_slice %arg6[%dma_start3A_151, %dma_start3A_162, %dma_start3A_163] : memref<4x32x768xf32, #tpu.memory_space<vmem>> -> memref<1x32x768xf32, #tpu.memory_space<vmem>>
    %dma_start3A_165 = tpu.memref_squeeze %dma_start3A_164 : memref<1x32x768xf32, #tpu.memory_space<vmem>> -> memref<32x768xf32, #tpu.memory_space<vmem>>
    tpu.enqueue_dma source(%dma_start3A_165 : memref<32x768xf32, #tpu.memory_space<vmem>>) target(%dma_start3A_161 : memref<32x768xf32, #tpu.memory_space<hbm>>) target_semaphore(%arg13 : memref<!tpu.dma_semaphore, #tpu.memory_space<semaphore_mem>>)
    %dma_wait3A_166 = arith.constant 1 : i32
    %dma_wait3A_167 = arith.constant 0 : i32
    %dma_wait3A_168 = arith.constant 0 : i32
    %dma_wait3A_169 = tpu.memref_slice %arg6[%dma_wait3A_166, %dma_wait3A_167, %dma_wait3A_168] : memref<4x32x768xf32, #tpu.memory_space<vmem>> -> memref<1x32x768xf32, #tpu.memory_space<vmem>>
    %dma_wait3A_170 = tpu.memref_squeeze %dma_wait3A_169 : memref<1x32x768xf32, #tpu.memory_space<vmem>> -> memref<32x768xf32, #tpu.memory_space<vmem>>
    %dma_wait3A_171 = arith.constant 0 : i32
    %dma_wait3A_172 = tpu.memref_slice %arg4[%select_n3A, %add3A_150, %dma_wait3A_171] : memref<4x2048x768xf32, #tpu.memory_space<hbm>> -> memref<1x32x768xf32, #tpu.memory_space<hbm>>
    %dma_wait3A_173 = tpu.memref_squeeze %dma_wait3A_172 : memref<1x32x768xf32, #tpu.memory_space<hbm>> -> memref<32x768xf32, #tpu.memory_space<hbm>>
    %dma_wait3A_174 = arith.constant 0 : i32
    %dma_wait3A_175 = tpu.memref_slice %arg4[%select_n3A, %add3A_150, %dma_wait3A_174] : memref<4x2048x768xf32, #tpu.memory_space<hbm>> -> memref<1x32x768xf32, #tpu.memory_space<hbm>>
    %dma_wait3A_176 = tpu.memref_squeeze %dma_wait3A_175 : memref<1x32x768xf32, #tpu.memory_space<hbm>> -> memref<32x768xf32, #tpu.memory_space<hbm>>
    %dma_wait3A_177 = arith.constant 0 : i32
    %dma_wait3A_178 = arith.constant 0 : i32
    %dma_wait3A_179 = tpu.memref_slice %arg6[%dma_wait3A_166, %dma_wait3A_177, %dma_wait3A_178] : memref<4x32x768xf32, #tpu.memory_space<vmem>> -> memref<1x32x768xf32, #tpu.memory_space<vmem>>
    %dma_wait3A_180 = tpu.memref_squeeze %dma_wait3A_179 : memref<1x32x768xf32, #tpu.memory_space<vmem>> -> memref<32x768xf32, #tpu.memory_space<vmem>>
    tpu.wait_dma2 semaphore(%arg13 : memref<!tpu.dma_semaphore, #tpu.memory_space<semaphore_mem>>) src(%dma_wait3A_180 : memref<32x768xf32, #tpu.memory_space<vmem>>) dst(%dma_wait3A_176 : memref<32x768xf32, #tpu.memory_space<hbm>>)
    %dma_start3A_181 = arith.constant 1 : i32
    %dma_start3A_182 = arith.constant 0 : i32
    %dma_start3A_183 = arith.constant 0 : i32
    %dma_start3A_184 = tpu.memref_slice %arg6[%dma_start3A_181, %dma_start3A_182, %dma_start3A_183] : memref<4x32x768xf32, #tpu.memory_space<vmem>> -> memref<1x32x768xf32, #tpu.memory_space<vmem>>
    %dma_start3A_185 = tpu.memref_squeeze %dma_start3A_184 : memref<1x32x768xf32, #tpu.memory_space<vmem>> -> memref<32x768xf32, #tpu.memory_space<vmem>>
    %dma_start3A_186 = arith.constant 160 : i32
    %dma_start3A_187 = tpu.memref_slice %arg5[%dma_start3A_186] : memref<256xi32, #tpu.memory_space<vmem>> -> memref<32xi32, #tpu.memory_space<vmem>>
    %dma_start3A_188 = arith.constant 0 : i32
    %dma_start3A_189 = arith.constant 0 : i32
    %dma_start3A_190 = tpu.memref_slice %arg2[%dma_start3A_188, %dma_start3A_189] : memref<50257x768xf32, #tpu.memory_space<hbm>> -> memref<50257x768xf32, #tpu.memory_space<hbm>>
    tpu.enqueue_indirect_dma source(%dma_start3A_190 : memref<50257x768xf32, #tpu.memory_space<hbm>>) target(%dma_start3A_185 : memref<32x768xf32, #tpu.memory_space<vmem>>) offsets(%dma_start3A_187 : memref<32xi32, #tpu.memory_space<vmem>>) semaphore(%arg9 : memref<!tpu.dma_semaphore, #tpu.memory_space<semaphore_mem>>)
    %dma_wait3A_191 = arith.constant 2 : i32
    %dma_wait3A_192 = arith.constant 0 : i32
    %dma_wait3A_193 = arith.constant 0 : i32
    %dma_wait3A_194 = tpu.memref_slice %arg6[%dma_wait3A_191, %dma_wait3A_192, %dma_wait3A_193] : memref<4x32x768xf32, #tpu.memory_space<vmem>> -> memref<1x32x768xf32, #tpu.memory_space<vmem>>
    %dma_wait3A_195 = tpu.memref_squeeze %dma_wait3A_194 : memref<1x32x768xf32, #tpu.memory_space<vmem>> -> memref<32x768xf32, #tpu.memory_space<vmem>>
    %dma_wait3A_196 = arith.constant 64 : i32
    %dma_wait3A_197 = tpu.memref_slice %arg5[%dma_wait3A_196] : memref<256xi32, #tpu.memory_space<vmem>> -> memref<32xi32, #tpu.memory_space<vmem>>
    %dma_wait3A_198 = arith.constant 0 : i32
    %dma_wait3A_199 = arith.constant 0 : i32
    %dma_wait3A_200 = tpu.memref_slice %arg2[%dma_wait3A_198, %dma_wait3A_199] : memref<50257x768xf32, #tpu.memory_space<hbm>> -> memref<50257x768xf32, #tpu.memory_space<hbm>>
    tpu.wait_indirect_dma semaphore(%arg10 : memref<!tpu.dma_semaphore, #tpu.memory_space<semaphore_mem>>) src(%dma_wait3A_200 : memref<50257x768xf32, #tpu.memory_space<hbm>>) dst(%dma_wait3A_195 : memref<32x768xf32, #tpu.memory_space<vmem>>)
    %add3A_201 = arith.constant 64 : i32
    %add3A_202 = arith.addi %mul3A_34, %add3A_201 : i32
    %dma_start3A_203 = arith.constant 2 : i32
    %dma_start3A_204 = arith.constant 0 : i32
    %dma_start3A_205 = arith.constant 0 : i32
    %dma_start3A_206 = tpu.memref_slice %arg6[%dma_start3A_203, %dma_start3A_204, %dma_start3A_205] : memref<4x32x768xf32, #tpu.memory_space<vmem>> -> memref<1x32x768xf32, #tpu.memory_space<vmem>>
    %dma_start3A_207 = tpu.memref_squeeze %dma_start3A_206 : memref<1x32x768xf32, #tpu.memory_space<vmem>> -> memref<32x768xf32, #tpu.memory_space<vmem>>
    %dma_start3A_208 = arith.constant 0 : i32
    %dma_start3A_209 = tpu.memref_slice %arg4[%select_n3A, %add3A_202, %dma_start3A_208] : memref<4x2048x768xf32, #tpu.memory_space<hbm>> -> memref<1x32x768xf32, #tpu.memory_space<hbm>>
    %dma_start3A_210 = tpu.memref_squeeze %dma_start3A_209 : memref<1x32x768xf32, #tpu.memory_space<hbm>> -> memref<32x768xf32, #tpu.memory_space<hbm>>
    %dma_start3A_211 = arith.constant 0 : i32
    %dma_start3A_212 = tpu.memref_slice %arg4[%select_n3A, %add3A_202, %dma_start3A_211] : memref<4x2048x768xf32, #tpu.memory_space<hbm>> -> memref<1x32x768xf32, #tpu.memory_space<hbm>>
    %dma_start3A_213 = tpu.memref_squeeze %dma_start3A_212 : memref<1x32x768xf32, #tpu.memory_space<hbm>> -> memref<32x768xf32, #tpu.memory_space<hbm>>
    %dma_start3A_214 = arith.constant 0 : i32
    %dma_start3A_215 = arith.constant 0 : i32
    %dma_start3A_216 = tpu.memref_slice %arg6[%dma_start3A_203, %dma_start3A_214, %dma_start3A_215] : memref<4x32x768xf32, #tpu.memory_space<vmem>> -> memref<1x32x768xf32, #tpu.memory_space<vmem>>
    %dma_start3A_217 = tpu.memref_squeeze %dma_start3A_216 : memref<1x32x768xf32, #tpu.memory_space<vmem>> -> memref<32x768xf32, #tpu.memory_space<vmem>>
    tpu.enqueue_dma source(%dma_start3A_217 : memref<32x768xf32, #tpu.memory_space<vmem>>) target(%dma_start3A_213 : memref<32x768xf32, #tpu.memory_space<hbm>>) target_semaphore(%arg14 : memref<!tpu.dma_semaphore, #tpu.memory_space<semaphore_mem>>)
    %dma_wait3A_218 = arith.constant 2 : i32
    %dma_wait3A_219 = arith.constant 0 : i32
    %dma_wait3A_220 = arith.constant 0 : i32
    %dma_wait3A_221 = tpu.memref_slice %arg6[%dma_wait3A_218, %dma_wait3A_219, %dma_wait3A_220] : memref<4x32x768xf32, #tpu.memory_space<vmem>> -> memref<1x32x768xf32, #tpu.memory_space<vmem>>
    %dma_wait3A_222 = tpu.memref_squeeze %dma_wait3A_221 : memref<1x32x768xf32, #tpu.memory_space<vmem>> -> memref<32x768xf32, #tpu.memory_space<vmem>>
    %dma_wait3A_223 = arith.constant 0 : i32
    %dma_wait3A_224 = tpu.memref_slice %arg4[%select_n3A, %add3A_202, %dma_wait3A_223] : memref<4x2048x768xf32, #tpu.memory_space<hbm>> -> memref<1x32x768xf32, #tpu.memory_space<hbm>>
    %dma_wait3A_225 = tpu.memref_squeeze %dma_wait3A_224 : memref<1x32x768xf32, #tpu.memory_space<hbm>> -> memref<32x768xf32, #tpu.memory_space<hbm>>
    %dma_wait3A_226 = arith.constant 0 : i32
    %dma_wait3A_227 = tpu.memref_slice %arg4[%select_n3A, %add3A_202, %dma_wait3A_226] : memref<4x2048x768xf32, #tpu.memory_space<hbm>> -> memref<1x32x768xf32, #tpu.memory_space<hbm>>
    %dma_wait3A_228 = tpu.memref_squeeze %dma_wait3A_227 : memref<1x32x768xf32, #tpu.memory_space<hbm>> -> memref<32x768xf32, #tpu.memory_space<hbm>>
    %dma_wait3A_229 = arith.constant 0 : i32
    %dma_wait3A_230 = arith.constant 0 : i32
    %dma_wait3A_231 = tpu.memref_slice %arg6[%dma_wait3A_218, %dma_wait3A_229, %dma_wait3A_230] : memref<4x32x768xf32, #tpu.memory_space<vmem>> -> memref<1x32x768xf32, #tpu.memory_space<vmem>>
    %dma_wait3A_232 = tpu.memref_squeeze %dma_wait3A_231 : memref<1x32x768xf32, #tpu.memory_space<vmem>> -> memref<32x768xf32, #tpu.memory_space<vmem>>
    tpu.wait_dma2 semaphore(%arg14 : memref<!tpu.dma_semaphore, #tpu.memory_space<semaphore_mem>>) src(%dma_wait3A_232 : memref<32x768xf32, #tpu.memory_space<vmem>>) dst(%dma_wait3A_228 : memref<32x768xf32, #tpu.memory_space<hbm>>)
    %dma_start3A_233 = arith.constant 2 : i32
    %dma_start3A_234 = arith.constant 0 : i32
    %dma_start3A_235 = arith.constant 0 : i32
    %dma_start3A_236 = tpu.memref_slice %arg6[%dma_start3A_233, %dma_start3A_234, %dma_start3A_235] : memref<4x32x768xf32, #tpu.memory_space<vmem>> -> memref<1x32x768xf32, #tpu.memory_space<vmem>>
    %dma_start3A_237 = tpu.memref_squeeze %dma_start3A_236 : memref<1x32x768xf32, #tpu.memory_space<vmem>> -> memref<32x768xf32, #tpu.memory_space<vmem>>
    %dma_start3A_238 = arith.constant 192 : i32
    %dma_start3A_239 = tpu.memref_slice %arg5[%dma_start3A_238] : memref<256xi32, #tpu.memory_space<vmem>> -> memref<32xi32, #tpu.memory_space<vmem>>
    %dma_start3A_240 = arith.constant 0 : i32
    %dma_start3A_241 = arith.constant 0 : i32
    %dma_start3A_242 = tpu.memref_slice %arg2[%dma_start3A_240, %dma_start3A_241] : memref<50257x768xf32, #tpu.memory_space<hbm>> -> memref<50257x768xf32, #tpu.memory_space<hbm>>
    tpu.enqueue_indirect_dma source(%dma_start3A_242 : memref<50257x768xf32, #tpu.memory_space<hbm>>) target(%dma_start3A_237 : memref<32x768xf32, #tpu.memory_space<vmem>>) offsets(%dma_start3A_239 : memref<32xi32, #tpu.memory_space<vmem>>) semaphore(%arg10 : memref<!tpu.dma_semaphore, #tpu.memory_space<semaphore_mem>>)
    %dma_wait3A_243 = arith.constant 3 : i32
    %dma_wait3A_244 = arith.constant 0 : i32
    %dma_wait3A_245 = arith.constant 0 : i32
    %dma_wait3A_246 = tpu.memref_slice %arg6[%dma_wait3A_243, %dma_wait3A_244, %dma_wait3A_245] : memref<4x32x768xf32, #tpu.memory_space<vmem>> -> memref<1x32x768xf32, #tpu.memory_space<vmem>>
    %dma_wait3A_247 = tpu.memref_squeeze %dma_wait3A_246 : memref<1x32x768xf32, #tpu.memory_space<vmem>> -> memref<32x768xf32, #tpu.memory_space<vmem>>
    %dma_wait3A_248 = arith.constant 96 : i32
    %dma_wait3A_249 = tpu.memref_slice %arg5[%dma_wait3A_248] : memref<256xi32, #tpu.memory_space<vmem>> -> memref<32xi32, #tpu.memory_space<vmem>>
    %dma_wait3A_250 = arith.constant 0 : i32
    %dma_wait3A_251 = arith.constant 0 : i32
    %dma_wait3A_252 = tpu.memref_slice %arg2[%dma_wait3A_250, %dma_wait3A_251] : memref<50257x768xf32, #tpu.memory_space<hbm>> -> memref<50257x768xf32, #tpu.memory_space<hbm>>
    tpu.wait_indirect_dma semaphore(%arg11 : memref<!tpu.dma_semaphore, #tpu.memory_space<semaphore_mem>>) src(%dma_wait3A_252 : memref<50257x768xf32, #tpu.memory_space<hbm>>) dst(%dma_wait3A_247 : memref<32x768xf32, #tpu.memory_space<vmem>>)
    %add3A_253 = arith.constant 96 : i32
    %add3A_254 = arith.addi %mul3A_34, %add3A_253 : i32
    %dma_start3A_255 = arith.constant 3 : i32
    %dma_start3A_256 = arith.constant 0 : i32
    %dma_start3A_257 = arith.constant 0 : i32
    %dma_start3A_258 = tpu.memref_slice %arg6[%dma_start3A_255, %dma_start3A_256, %dma_start3A_257] : memref<4x32x768xf32, #tpu.memory_space<vmem>> -> memref<1x32x768xf32, #tpu.memory_space<vmem>>
    %dma_start3A_259 = tpu.memref_squeeze %dma_start3A_258 : memref<1x32x768xf32, #tpu.memory_space<vmem>> -> memref<32x768xf32, #tpu.memory_space<vmem>>
    %dma_start3A_260 = arith.constant 0 : i32
    %dma_start3A_261 = tpu.memref_slice %arg4[%select_n3A, %add3A_254, %dma_start3A_260] : memref<4x2048x768xf32, #tpu.memory_space<hbm>> -> memref<1x32x768xf32, #tpu.memory_space<hbm>>
    %dma_start3A_262 = tpu.memref_squeeze %dma_start3A_261 : memref<1x32x768xf32, #tpu.memory_space<hbm>> -> memref<32x768xf32, #tpu.memory_space<hbm>>
    %dma_start3A_263 = arith.constant 0 : i32
    %dma_start3A_264 = tpu.memref_slice %arg4[%select_n3A, %add3A_254, %dma_start3A_263] : memref<4x2048x768xf32, #tpu.memory_space<hbm>> -> memref<1x32x768xf32, #tpu.memory_space<hbm>>
    %dma_start3A_265 = tpu.memref_squeeze %dma_start3A_264 : memref<1x32x768xf32, #tpu.memory_space<hbm>> -> memref<32x768xf32, #tpu.memory_space<hbm>>
    %dma_start3A_266 = arith.constant 0 : i32
    %dma_start3A_267 = arith.constant 0 : i32
    %dma_start3A_268 = tpu.memref_slice %arg6[%dma_start3A_255, %dma_start3A_266, %dma_start3A_267] : memref<4x32x768xf32, #tpu.memory_space<vmem>> -> memref<1x32x768xf32, #tpu.memory_space<vmem>>
    %dma_start3A_269 = tpu.memref_squeeze %dma_start3A_268 : memref<1x32x768xf32, #tpu.memory_space<vmem>> -> memref<32x768xf32, #tpu.memory_space<vmem>>
    tpu.enqueue_dma source(%dma_start3A_269 : memref<32x768xf32, #tpu.memory_space<vmem>>) target(%dma_start3A_265 : memref<32x768xf32, #tpu.memory_space<hbm>>) target_semaphore(%arg15 : memref<!tpu.dma_semaphore, #tpu.memory_space<semaphore_mem>>)
    %dma_wait3A_270 = arith.constant 3 : i32
    %dma_wait3A_271 = arith.constant 0 : i32
    %dma_wait3A_272 = arith.constant 0 : i32
    %dma_wait3A_273 = tpu.memref_slice %arg6[%dma_wait3A_270, %dma_wait3A_271, %dma_wait3A_272] : memref<4x32x768xf32, #tpu.memory_space<vmem>> -> memref<1x32x768xf32, #tpu.memory_space<vmem>>
    %dma_wait3A_274 = tpu.memref_squeeze %dma_wait3A_273 : memref<1x32x768xf32, #tpu.memory_space<vmem>> -> memref<32x768xf32, #tpu.memory_space<vmem>>
    %dma_wait3A_275 = arith.constant 0 : i32
    %dma_wait3A_276 = tpu.memref_slice %arg4[%select_n3A, %add3A_254, %dma_wait3A_275] : memref<4x2048x768xf32, #tpu.memory_space<hbm>> -> memref<1x32x768xf32, #tpu.memory_space<hbm>>
    %dma_wait3A_277 = tpu.memref_squeeze %dma_wait3A_276 : memref<1x32x768xf32, #tpu.memory_space<hbm>> -> memref<32x768xf32, #tpu.memory_space<hbm>>
    %dma_wait3A_278 = arith.constant 0 : i32
    %dma_wait3A_279 = tpu.memref_slice %arg4[%select_n3A, %add3A_254, %dma_wait3A_278] : memref<4x2048x768xf32, #tpu.memory_space<hbm>> -> memref<1x32x768xf32, #tpu.memory_space<hbm>>
    %dma_wait3A_280 = tpu.memref_squeeze %dma_wait3A_279 : memref<1x32x768xf32, #tpu.memory_space<hbm>> -> memref<32x768xf32, #tpu.memory_space<hbm>>
    %dma_wait3A_281 = arith.constant 0 : i32
    %dma_wait3A_282 = arith.constant 0 : i32
    %dma_wait3A_283 = tpu.memref_slice %arg6[%dma_wait3A_270, %dma_wait3A_281, %dma_wait3A_282] : memref<4x32x768xf32, #tpu.memory_space<vmem>> -> memref<1x32x768xf32, #tpu.memory_space<vmem>>
    %dma_wait3A_284 = tpu.memref_squeeze %dma_wait3A_283 : memref<1x32x768xf32, #tpu.memory_space<vmem>> -> memref<32x768xf32, #tpu.memory_space<vmem>>
    tpu.wait_dma2 semaphore(%arg15 : memref<!tpu.dma_semaphore, #tpu.memory_space<semaphore_mem>>) src(%dma_wait3A_284 : memref<32x768xf32, #tpu.memory_space<vmem>>) dst(%dma_wait3A_280 : memref<32x768xf32, #tpu.memory_space<hbm>>)
    %dma_start3A_285 = arith.constant 3 : i32
    %dma_start3A_286 = arith.constant 0 : i32
    %dma_start3A_287 = arith.constant 0 : i32
    %dma_start3A_288 = tpu.memref_slice %arg6[%dma_start3A_285, %dma_start3A_286, %dma_start3A_287] : memref<4x32x768xf32, #tpu.memory_space<vmem>> -> memref<1x32x768xf32, #tpu.memory_space<vmem>>
    %dma_start3A_289 = tpu.memref_squeeze %dma_start3A_288 : memref<1x32x768xf32, #tpu.memory_space<vmem>> -> memref<32x768xf32, #tpu.memory_space<vmem>>
    %dma_start3A_290 = arith.constant 224 : i32
    %dma_start3A_291 = tpu.memref_slice %arg5[%dma_start3A_290] : memref<256xi32, #tpu.memory_space<vmem>> -> memref<32xi32, #tpu.memory_space<vmem>>
    %dma_start3A_292 = arith.constant 0 : i32
    %dma_start3A_293 = arith.constant 0 : i32
    %dma_start3A_294 = tpu.memref_slice %arg2[%dma_start3A_292, %dma_start3A_293] : memref<50257x768xf32, #tpu.memory_space<hbm>> -> memref<50257x768xf32, #tpu.memory_space<hbm>>
    tpu.enqueue_indirect_dma source(%dma_start3A_294 : memref<50257x768xf32, #tpu.memory_space<hbm>>) target(%dma_start3A_289 : memref<32x768xf32, #tpu.memory_space<vmem>>) offsets(%dma_start3A_291 : memref<32xi32, #tpu.memory_space<vmem>>) semaphore(%arg11 : memref<!tpu.dma_semaphore, #tpu.memory_space<semaphore_mem>>)
    %dma_wait3A_295 = arith.constant 0 : i32
    %dma_wait3A_296 = arith.constant 0 : i32
    %dma_wait3A_297 = arith.constant 0 : i32
    %dma_wait3A_298 = tpu.memref_slice %arg6[%dma_wait3A_295, %dma_wait3A_296, %dma_wait3A_297] : memref<4x32x768xf32, #tpu.memory_space<vmem>> -> memref<1x32x768xf32, #tpu.memory_space<vmem>>
    %dma_wait3A_299 = tpu.memref_squeeze %dma_wait3A_298 : memref<1x32x768xf32, #tpu.memory_space<vmem>> -> memref<32x768xf32, #tpu.memory_space<vmem>>
    %dma_wait3A_300 = arith.constant 128 : i32
    %dma_wait3A_301 = tpu.memref_slice %arg5[%dma_wait3A_300] : memref<256xi32, #tpu.memory_space<vmem>> -> memref<32xi32, #tpu.memory_space<vmem>>
    %dma_wait3A_302 = arith.constant 0 : i32
    %dma_wait3A_303 = arith.constant 0 : i32
    %dma_wait3A_304 = tpu.memref_slice %arg2[%dma_wait3A_302, %dma_wait3A_303] : memref<50257x768xf32, #tpu.memory_space<hbm>> -> memref<50257x768xf32, #tpu.memory_space<hbm>>
    tpu.wait_indirect_dma semaphore(%arg8 : memref<!tpu.dma_semaphore, #tpu.memory_space<semaphore_mem>>) src(%dma_wait3A_304 : memref<50257x768xf32, #tpu.memory_space<hbm>>) dst(%dma_wait3A_299 : memref<32x768xf32, #tpu.memory_space<vmem>>)
    %add3A_305 = arith.constant 128 : i32
    %add3A_306 = arith.addi %mul3A_34, %add3A_305 : i32
    %dma_start3A_307 = arith.constant 0 : i32
    %dma_start3A_308 = arith.constant 0 : i32
    %dma_start3A_309 = arith.constant 0 : i32
    %dma_start3A_310 = tpu.memref_slice %arg6[%dma_start3A_307, %dma_start3A_308, %dma_start3A_309] : memref<4x32x768xf32, #tpu.memory_space<vmem>> -> memref<1x32x768xf32, #tpu.memory_space<vmem>>
    %dma_start3A_311 = tpu.memref_squeeze %dma_start3A_310 : memref<1x32x768xf32, #tpu.memory_space<vmem>> -> memref<32x768xf32, #tpu.memory_space<vmem>>
    %dma_start3A_312 = arith.constant 0 : i32
    %dma_start3A_313 = tpu.memref_slice %arg4[%select_n3A, %add3A_306, %dma_start3A_312] : memref<4x2048x768xf32, #tpu.memory_space<hbm>> -> memref<1x32x768xf32, #tpu.memory_space<hbm>>
    %dma_start3A_314 = tpu.memref_squeeze %dma_start3A_313 : memref<1x32x768xf32, #tpu.memory_space<hbm>> -> memref<32x768xf32, #tpu.memory_space<hbm>>
    %dma_start3A_315 = arith.constant 0 : i32
    %dma_start3A_316 = tpu.memref_slice %arg4[%select_n3A, %add3A_306, %dma_start3A_315] : memref<4x2048x768xf32, #tpu.memory_space<hbm>> -> memref<1x32x768xf32, #tpu.memory_space<hbm>>
    %dma_start3A_317 = tpu.memref_squeeze %dma_start3A_316 : memref<1x32x768xf32, #tpu.memory_space<hbm>> -> memref<32x768xf32, #tpu.memory_space<hbm>>
    %dma_start3A_318 = arith.constant 0 : i32
    %dma_start3A_319 = arith.constant 0 : i32
    %dma_start3A_320 = tpu.memref_slice %arg6[%dma_start3A_307, %dma_start3A_318, %dma_start3A_319] : memref<4x32x768xf32, #tpu.memory_space<vmem>> -> memref<1x32x768xf32, #tpu.memory_space<vmem>>
    %dma_start3A_321 = tpu.memref_squeeze %dma_start3A_320 : memref<1x32x768xf32, #tpu.memory_space<vmem>> -> memref<32x768xf32, #tpu.memory_space<vmem>>
    tpu.enqueue_dma source(%dma_start3A_321 : memref<32x768xf32, #tpu.memory_space<vmem>>) target(%dma_start3A_317 : memref<32x768xf32, #tpu.memory_space<hbm>>) target_semaphore(%arg12 : memref<!tpu.dma_semaphore, #tpu.memory_space<semaphore_mem>>)
    %dma_wait3A_322 = arith.constant 1 : i32
    %dma_wait3A_323 = arith.constant 0 : i32
    %dma_wait3A_324 = arith.constant 0 : i32
    %dma_wait3A_325 = tpu.memref_slice %arg6[%dma_wait3A_322, %dma_wait3A_323, %dma_wait3A_324] : memref<4x32x768xf32, #tpu.memory_space<vmem>> -> memref<1x32x768xf32, #tpu.memory_space<vmem>>
    %dma_wait3A_326 = tpu.memref_squeeze %dma_wait3A_325 : memref<1x32x768xf32, #tpu.memory_space<vmem>> -> memref<32x768xf32, #tpu.memory_space<vmem>>
    %dma_wait3A_327 = arith.constant 160 : i32
    %dma_wait3A_328 = tpu.memref_slice %arg5[%dma_wait3A_327] : memref<256xi32, #tpu.memory_space<vmem>> -> memref<32xi32, #tpu.memory_space<vmem>>
    %dma_wait3A_329 = arith.constant 0 : i32
    %dma_wait3A_330 = arith.constant 0 : i32
    %dma_wait3A_331 = tpu.memref_slice %arg2[%dma_wait3A_329, %dma_wait3A_330] : memref<50257x768xf32, #tpu.memory_space<hbm>> -> memref<50257x768xf32, #tpu.memory_space<hbm>>
    tpu.wait_indirect_dma semaphore(%arg9 : memref<!tpu.dma_semaphore, #tpu.memory_space<semaphore_mem>>) src(%dma_wait3A_331 : memref<50257x768xf32, #tpu.memory_space<hbm>>) dst(%dma_wait3A_326 : memref<32x768xf32, #tpu.memory_space<vmem>>)
    %add3A_332 = arith.constant 160 : i32
    %add3A_333 = arith.addi %mul3A_34, %add3A_332 : i32
    %dma_start3A_334 = arith.constant 1 : i32
    %dma_start3A_335 = arith.constant 0 : i32
    %dma_start3A_336 = arith.constant 0 : i32
    %dma_start3A_337 = tpu.memref_slice %arg6[%dma_start3A_334, %dma_start3A_335, %dma_start3A_336] : memref<4x32x768xf32, #tpu.memory_space<vmem>> -> memref<1x32x768xf32, #tpu.memory_space<vmem>>
    %dma_start3A_338 = tpu.memref_squeeze %dma_start3A_337 : memref<1x32x768xf32, #tpu.memory_space<vmem>> -> memref<32x768xf32, #tpu.memory_space<vmem>>
    %dma_start3A_339 = arith.constant 0 : i32
    %dma_start3A_340 = tpu.memref_slice %arg4[%select_n3A, %add3A_333, %dma_start3A_339] : memref<4x2048x768xf32, #tpu.memory_space<hbm>> -> memref<1x32x768xf32, #tpu.memory_space<hbm>>
    %dma_start3A_341 = tpu.memref_squeeze %dma_start3A_340 : memref<1x32x768xf32, #tpu.memory_space<hbm>> -> memref<32x768xf32, #tpu.memory_space<hbm>>
    %dma_start3A_342 = arith.constant 0 : i32
    %dma_start3A_343 = tpu.memref_slice %arg4[%select_n3A, %add3A_333, %dma_start3A_342] : memref<4x2048x768xf32, #tpu.memory_space<hbm>> -> memref<1x32x768xf32, #tpu.memory_space<hbm>>
    %dma_start3A_344 = tpu.memref_squeeze %dma_start3A_343 : memref<1x32x768xf32, #tpu.memory_space<hbm>> -> memref<32x768xf32, #tpu.memory_space<hbm>>
    %dma_start3A_345 = arith.constant 0 : i32
    %dma_start3A_346 = arith.constant 0 : i32
    %dma_start3A_347 = tpu.memref_slice %arg6[%dma_start3A_334, %dma_start3A_345, %dma_start3A_346] : memref<4x32x768xf32, #tpu.memory_space<vmem>> -> memref<1x32x768xf32, #tpu.memory_space<vmem>>
    %dma_start3A_348 = tpu.memref_squeeze %dma_start3A_347 : memref<1x32x768xf32, #tpu.memory_space<vmem>> -> memref<32x768xf32, #tpu.memory_space<vmem>>
    tpu.enqueue_dma source(%dma_start3A_348 : memref<32x768xf32, #tpu.memory_space<vmem>>) target(%dma_start3A_344 : memref<32x768xf32, #tpu.memory_space<hbm>>) target_semaphore(%arg13 : memref<!tpu.dma_semaphore, #tpu.memory_space<semaphore_mem>>)
    %dma_wait3A_349 = arith.constant 2 : i32
    %dma_wait3A_350 = arith.constant 0 : i32
    %dma_wait3A_351 = arith.constant 0 : i32
    %dma_wait3A_352 = tpu.memref_slice %arg6[%dma_wait3A_349, %dma_wait3A_350, %dma_wait3A_351] : memref<4x32x768xf32, #tpu.memory_space<vmem>> -> memref<1x32x768xf32, #tpu.memory_space<vmem>>
    %dma_wait3A_353 = tpu.memref_squeeze %dma_wait3A_352 : memref<1x32x768xf32, #tpu.memory_space<vmem>> -> memref<32x768xf32, #tpu.memory_space<vmem>>
    %dma_wait3A_354 = arith.constant 192 : i32
    %dma_wait3A_355 = tpu.memref_slice %arg5[%dma_wait3A_354] : memref<256xi32, #tpu.memory_space<vmem>> -> memref<32xi32, #tpu.memory_space<vmem>>
    %dma_wait3A_356 = arith.constant 0 : i32
    %dma_wait3A_357 = arith.constant 0 : i32
    %dma_wait3A_358 = tpu.memref_slice %arg2[%dma_wait3A_356, %dma_wait3A_357] : memref<50257x768xf32, #tpu.memory_space<hbm>> -> memref<50257x768xf32, #tpu.memory_space<hbm>>
    tpu.wait_indirect_dma semaphore(%arg10 : memref<!tpu.dma_semaphore, #tpu.memory_space<semaphore_mem>>) src(%dma_wait3A_358 : memref<50257x768xf32, #tpu.memory_space<hbm>>) dst(%dma_wait3A_353 : memref<32x768xf32, #tpu.memory_space<vmem>>)
    %add3A_359 = arith.constant 192 : i32
    %add3A_360 = arith.addi %mul3A_34, %add3A_359 : i32
    %dma_start3A_361 = arith.constant 2 : i32
    %dma_start3A_362 = arith.constant 0 : i32
    %dma_start3A_363 = arith.constant 0 : i32
    %dma_start3A_364 = tpu.memref_slice %arg6[%dma_start3A_361, %dma_start3A_362, %dma_start3A_363] : memref<4x32x768xf32, #tpu.memory_space<vmem>> -> memref<1x32x768xf32, #tpu.memory_space<vmem>>
    %dma_start3A_365 = tpu.memref_squeeze %dma_start3A_364 : memref<1x32x768xf32, #tpu.memory_space<vmem>> -> memref<32x768xf32, #tpu.memory_space<vmem>>
    %dma_start3A_366 = arith.constant 0 : i32
    %dma_start3A_367 = tpu.memref_slice %arg4[%select_n3A, %add3A_360, %dma_start3A_366] : memref<4x2048x768xf32, #tpu.memory_space<hbm>> -> memref<1x32x768xf32, #tpu.memory_space<hbm>>
    %dma_start3A_368 = tpu.memref_squeeze %dma_start3A_367 : memref<1x32x768xf32, #tpu.memory_space<hbm>> -> memref<32x768xf32, #tpu.memory_space<hbm>>
    %dma_start3A_369 = arith.constant 0 : i32
    %dma_start3A_370 = tpu.memref_slice %arg4[%select_n3A, %add3A_360, %dma_start3A_369] : memref<4x2048x768xf32, #tpu.memory_space<hbm>> -> memref<1x32x768xf32, #tpu.memory_space<hbm>>
    %dma_start3A_371 = tpu.memref_squeeze %dma_start3A_370 : memref<1x32x768xf32, #tpu.memory_space<hbm>> -> memref<32x768xf32, #tpu.memory_space<hbm>>
    %dma_start3A_372 = arith.constant 0 : i32
    %dma_start3A_373 = arith.constant 0 : i32
    %dma_start3A_374 = tpu.memref_slice %arg6[%dma_start3A_361, %dma_start3A_372, %dma_start3A_373] : memref<4x32x768xf32, #tpu.memory_space<vmem>> -> memref<1x32x768xf32, #tpu.memory_space<vmem>>
    %dma_start3A_375 = tpu.memref_squeeze %dma_start3A_374 : memref<1x32x768xf32, #tpu.memory_space<vmem>> -> memref<32x768xf32, #tpu.memory_space<vmem>>
    tpu.enqueue_dma source(%dma_start3A_375 : memref<32x768xf32, #tpu.memory_space<vmem>>) target(%dma_start3A_371 : memref<32x768xf32, #tpu.memory_space<hbm>>) target_semaphore(%arg14 : memref<!tpu.dma_semaphore, #tpu.memory_space<semaphore_mem>>)
    %dma_wait3A_376 = arith.constant 3 : i32
    %dma_wait3A_377 = arith.constant 0 : i32
    %dma_wait3A_378 = arith.constant 0 : i32
    %dma_wait3A_379 = tpu.memref_slice %arg6[%dma_wait3A_376, %dma_wait3A_377, %dma_wait3A_378] : memref<4x32x768xf32, #tpu.memory_space<vmem>> -> memref<1x32x768xf32, #tpu.memory_space<vmem>>
    %dma_wait3A_380 = tpu.memref_squeeze %dma_wait3A_379 : memref<1x32x768xf32, #tpu.memory_space<vmem>> -> memref<32x768xf32, #tpu.memory_space<vmem>>
    %dma_wait3A_381 = arith.constant 224 : i32
    %dma_wait3A_382 = tpu.memref_slice %arg5[%dma_wait3A_381] : memref<256xi32, #tpu.memory_space<vmem>> -> memref<32xi32, #tpu.memory_space<vmem>>
    %dma_wait3A_383 = arith.constant 0 : i32
    %dma_wait3A_384 = arith.constant 0 : i32
    %dma_wait3A_385 = tpu.memref_slice %arg2[%dma_wait3A_383, %dma_wait3A_384] : memref<50257x768xf32, #tpu.memory_space<hbm>> -> memref<50257x768xf32, #tpu.memory_space<hbm>>
    tpu.wait_indirect_dma semaphore(%arg11 : memref<!tpu.dma_semaphore, #tpu.memory_space<semaphore_mem>>) src(%dma_wait3A_385 : memref<50257x768xf32, #tpu.memory_space<hbm>>) dst(%dma_wait3A_380 : memref<32x768xf32, #tpu.memory_space<vmem>>)
    %add3A_386 = arith.constant 224 : i32
    %add3A_387 = arith.addi %mul3A_34, %add3A_386 : i32
    %dma_start3A_388 = arith.constant 3 : i32
    %dma_start3A_389 = arith.constant 0 : i32
    %dma_start3A_390 = arith.constant 0 : i32
    %dma_start3A_391 = tpu.memref_slice %arg6[%dma_start3A_388, %dma_start3A_389, %dma_start3A_390] : memref<4x32x768xf32, #tpu.memory_space<vmem>> -> memref<1x32x768xf32, #tpu.memory_space<vmem>>
    %dma_start3A_392 = tpu.memref_squeeze %dma_start3A_391 : memref<1x32x768xf32, #tpu.memory_space<vmem>> -> memref<32x768xf32, #tpu.memory_space<vmem>>
    %dma_start3A_393 = arith.constant 0 : i32
    %dma_start3A_394 = tpu.memref_slice %arg4[%select_n3A, %add3A_387, %dma_start3A_393] : memref<4x2048x768xf32, #tpu.memory_space<hbm>> -> memref<1x32x768xf32, #tpu.memory_space<hbm>>
    %dma_start3A_395 = tpu.memref_squeeze %dma_start3A_394 : memref<1x32x768xf32, #tpu.memory_space<hbm>> -> memref<32x768xf32, #tpu.memory_space<hbm>>
    %dma_start3A_396 = arith.constant 0 : i32
    %dma_start3A_397 = tpu.memref_slice %arg4[%select_n3A, %add3A_387, %dma_start3A_396] : memref<4x2048x768xf32, #tpu.memory_space<hbm>> -> memref<1x32x768xf32, #tpu.memory_space<hbm>>
    %dma_start3A_398 = tpu.memref_squeeze %dma_start3A_397 : memref<1x32x768xf32, #tpu.memory_space<hbm>> -> memref<32x768xf32, #tpu.memory_space<hbm>>
    %dma_start3A_399 = arith.constant 0 : i32
    %dma_start3A_400 = arith.constant 0 : i32
    %dma_start3A_401 = tpu.memref_slice %arg6[%dma_start3A_388, %dma_start3A_399, %dma_start3A_400] : memref<4x32x768xf32, #tpu.memory_space<vmem>> -> memref<1x32x768xf32, #tpu.memory_space<vmem>>
    %dma_start3A_402 = tpu.memref_squeeze %dma_start3A_401 : memref<1x32x768xf32, #tpu.memory_space<vmem>> -> memref<32x768xf32, #tpu.memory_space<vmem>>
    tpu.enqueue_dma source(%dma_start3A_402 : memref<32x768xf32, #tpu.memory_space<vmem>>) target(%dma_start3A_398 : memref<32x768xf32, #tpu.memory_space<hbm>>) target_semaphore(%arg15 : memref<!tpu.dma_semaphore, #tpu.memory_space<semaphore_mem>>)
    %dma_wait3A_403 = arith.constant 0 : i32
    %dma_wait3A_404 = arith.constant 0 : i32
    %dma_wait3A_405 = arith.constant 0 : i32
    %dma_wait3A_406 = tpu.memref_slice %arg6[%dma_wait3A_403, %dma_wait3A_404, %dma_wait3A_405] : memref<4x32x768xf32, #tpu.memory_space<vmem>> -> memref<1x32x768xf32, #tpu.memory_space<vmem>>
    %dma_wait3A_407 = tpu.memref_squeeze %dma_wait3A_406 : memref<1x32x768xf32, #tpu.memory_space<vmem>> -> memref<32x768xf32, #tpu.memory_space<vmem>>
    %dma_wait3A_408 = arith.constant 0 : i32
    %dma_wait3A_409 = tpu.memref_slice %arg4[%select_n3A, %add3A_306, %dma_wait3A_408] : memref<4x2048x768xf32, #tpu.memory_space<hbm>> -> memref<1x32x768xf32, #tpu.memory_space<hbm>>
    %dma_wait3A_410 = tpu.memref_squeeze %dma_wait3A_409 : memref<1x32x768xf32, #tpu.memory_space<hbm>> -> memref<32x768xf32, #tpu.memory_space<hbm>>
    %dma_wait3A_411 = arith.constant 0 : i32
    %dma_wait3A_412 = tpu.memref_slice %arg4[%select_n3A, %add3A_306, %dma_wait3A_411] : memref<4x2048x768xf32, #tpu.memory_space<hbm>> -> memref<1x32x768xf32, #tpu.memory_space<hbm>>
    %dma_wait3A_413 = tpu.memref_squeeze %dma_wait3A_412 : memref<1x32x768xf32, #tpu.memory_space<hbm>> -> memref<32x768xf32, #tpu.memory_space<hbm>>
    %dma_wait3A_414 = arith.constant 0 : i32
    %dma_wait3A_415 = arith.constant 0 : i32
    %dma_wait3A_416 = tpu.memref_slice %arg6[%dma_wait3A_403, %dma_wait3A_414, %dma_wait3A_415] : memref<4x32x768xf32, #tpu.memory_space<vmem>> -> memref<1x32x768xf32, #tpu.memory_space<vmem>>
    %dma_wait3A_417 = tpu.memref_squeeze %dma_wait3A_416 : memref<1x32x768xf32, #tpu.memory_space<vmem>> -> memref<32x768xf32, #tpu.memory_space<vmem>>
    tpu.wait_dma2 semaphore(%arg12 : memref<!tpu.dma_semaphore, #tpu.memory_space<semaphore_mem>>) src(%dma_wait3A_417 : memref<32x768xf32, #tpu.memory_space<vmem>>) dst(%dma_wait3A_413 : memref<32x768xf32, #tpu.memory_space<hbm>>)
    %dma_wait3A_418 = arith.constant 1 : i32
    %dma_wait3A_419 = arith.constant 0 : i32
    %dma_wait3A_420 = arith.constant 0 : i32
    %dma_wait3A_421 = tpu.memref_slice %arg6[%dma_wait3A_418, %dma_wait3A_419, %dma_wait3A_420] : memref<4x32x768xf32, #tpu.memory_space<vmem>> -> memref<1x32x768xf32, #tpu.memory_space<vmem>>
    %dma_wait3A_422 = tpu.memref_squeeze %dma_wait3A_421 : memref<1x32x768xf32, #tpu.memory_space<vmem>> -> memref<32x768xf32, #tpu.memory_space<vmem>>
    %dma_wait3A_423 = arith.constant 0 : i32
    %dma_wait3A_424 = tpu.memref_slice %arg4[%select_n3A, %add3A_333, %dma_wait3A_423] : memref<4x2048x768xf32, #tpu.memory_space<hbm>> -> memref<1x32x768xf32, #tpu.memory_space<hbm>>
    %dma_wait3A_425 = tpu.memref_squeeze %dma_wait3A_424 : memref<1x32x768xf32, #tpu.memory_space<hbm>> -> memref<32x768xf32, #tpu.memory_space<hbm>>
    %dma_wait3A_426 = arith.constant 0 : i32
    %dma_wait3A_427 = tpu.memref_slice %arg4[%select_n3A, %add3A_333, %dma_wait3A_426] : memref<4x2048x768xf32, #tpu.memory_space<hbm>> -> memref<1x32x768xf32, #tpu.memory_space<hbm>>
    %dma_wait3A_428 = tpu.memref_squeeze %dma_wait3A_427 : memref<1x32x768xf32, #tpu.memory_space<hbm>> -> memref<32x768xf32, #tpu.memory_space<hbm>>
    %dma_wait3A_429 = arith.constant 0 : i32
    %dma_wait3A_430 = arith.constant 0 : i32
    %dma_wait3A_431 = tpu.memref_slice %arg6[%dma_wait3A_418, %dma_wait3A_429, %dma_wait3A_430] : memref<4x32x768xf32, #tpu.memory_space<vmem>> -> memref<1x32x768xf32, #tpu.memory_space<vmem>>
    %dma_wait3A_432 = tpu.memref_squeeze %dma_wait3A_431 : memref<1x32x768xf32, #tpu.memory_space<vmem>> -> memref<32x768xf32, #tpu.memory_space<vmem>>
    tpu.wait_dma2 semaphore(%arg13 : memref<!tpu.dma_semaphore, #tpu.memory_space<semaphore_mem>>) src(%dma_wait3A_432 : memref<32x768xf32, #tpu.memory_space<vmem>>) dst(%dma_wait3A_428 : memref<32x768xf32, #tpu.memory_space<hbm>>)
    %dma_wait3A_433 = arith.constant 2 : i32
    %dma_wait3A_434 = arith.constant 0 : i32
    %dma_wait3A_435 = arith.constant 0 : i32
    %dma_wait3A_436 = tpu.memref_slice %arg6[%dma_wait3A_433, %dma_wait3A_434, %dma_wait3A_435] : memref<4x32x768xf32, #tpu.memory_space<vmem>> -> memref<1x32x768xf32, #tpu.memory_space<vmem>>
    %dma_wait3A_437 = tpu.memref_squeeze %dma_wait3A_436 : memref<1x32x768xf32, #tpu.memory_space<vmem>> -> memref<32x768xf32, #tpu.memory_space<vmem>>
    %dma_wait3A_438 = arith.constant 0 : i32
    %dma_wait3A_439 = tpu.memref_slice %arg4[%select_n3A, %add3A_360, %dma_wait3A_438] : memref<4x2048x768xf32, #tpu.memory_space<hbm>> -> memref<1x32x768xf32, #tpu.memory_space<hbm>>
    %dma_wait3A_440 = tpu.memref_squeeze %dma_wait3A_439 : memref<1x32x768xf32, #tpu.memory_space<hbm>> -> memref<32x768xf32, #tpu.memory_space<hbm>>
    %dma_wait3A_441 = arith.constant 0 : i32
    %dma_wait3A_442 = tpu.memref_slice %arg4[%select_n3A, %add3A_360, %dma_wait3A_441] : memref<4x2048x768xf32, #tpu.memory_space<hbm>> -> memref<1x32x768xf32, #tpu.memory_space<hbm>>
    %dma_wait3A_443 = tpu.memref_squeeze %dma_wait3A_442 : memref<1x32x768xf32, #tpu.memory_space<hbm>> -> memref<32x768xf32, #tpu.memory_space<hbm>>
    %dma_wait3A_444 = arith.constant 0 : i32
    %dma_wait3A_445 = arith.constant 0 : i32
    %dma_wait3A_446 = tpu.memref_slice %arg6[%dma_wait3A_433, %dma_wait3A_444, %dma_wait3A_445] : memref<4x32x768xf32, #tpu.memory_space<vmem>> -> memref<1x32x768xf32, #tpu.memory_space<vmem>>
    %dma_wait3A_447 = tpu.memref_squeeze %dma_wait3A_446 : memref<1x32x768xf32, #tpu.memory_space<vmem>> -> memref<32x768xf32, #tpu.memory_space<vmem>>
    tpu.wait_dma2 semaphore(%arg14 : memref<!tpu.dma_semaphore, #tpu.memory_space<semaphore_mem>>) src(%dma_wait3A_447 : memref<32x768xf32, #tpu.memory_space<vmem>>) dst(%dma_wait3A_443 : memref<32x768xf32, #tpu.memory_space<hbm>>)
    %dma_wait3A_448 = arith.constant 3 : i32
    %dma_wait3A_449 = arith.constant 0 : i32
    %dma_wait3A_450 = arith.constant 0 : i32
    %dma_wait3A_451 = tpu.memref_slice %arg6[%dma_wait3A_448, %dma_wait3A_449, %dma_wait3A_450] : memref<4x32x768xf32, #tpu.memory_space<vmem>> -> memref<1x32x768xf32, #tpu.memory_space<vmem>>
    %dma_wait3A_452 = tpu.memref_squeeze %dma_wait3A_451 : memref<1x32x768xf32, #tpu.memory_space<vmem>> -> memref<32x768xf32, #tpu.memory_space<vmem>>
    %dma_wait3A_453 = arith.constant 0 : i32
    %dma_wait3A_454 = tpu.memref_slice %arg4[%select_n3A, %add3A_387, %dma_wait3A_453] : memref<4x2048x768xf32, #tpu.memory_space<hbm>> -> memref<1x32x768xf32, #tpu.memory_space<hbm>>
    %dma_wait3A_455 = tpu.memref_squeeze %dma_wait3A_454 : memref<1x32x768xf32, #tpu.memory_space<hbm>> -> memref<32x768xf32, #tpu.memory_space<hbm>>
    %dma_wait3A_456 = arith.constant 0 : i32
    %dma_wait3A_457 = tpu.memref_slice %arg4[%select_n3A, %add3A_387, %dma_wait3A_456] : memref<4x2048x768xf32, #tpu.memory_space<hbm>> -> memref<1x32x768xf32, #tpu.memory_space<hbm>>
    %dma_wait3A_458 = tpu.memref_squeeze %dma_wait3A_457 : memref<1x32x768xf32, #tpu.memory_space<hbm>> -> memref<32x768xf32, #tpu.memory_space<hbm>>
    %dma_wait3A_459 = arith.constant 0 : i32
    %dma_wait3A_460 = arith.constant 0 : i32
    %dma_wait3A_461 = tpu.memref_slice %arg6[%dma_wait3A_448, %dma_wait3A_459, %dma_wait3A_460] : memref<4x32x768xf32, #tpu.memory_space<vmem>> -> memref<1x32x768xf32, #tpu.memory_space<vmem>>
    %dma_wait3A_462 = tpu.memref_squeeze %dma_wait3A_461 : memref<1x32x768xf32, #tpu.memory_space<vmem>> -> memref<32x768xf32, #tpu.memory_space<vmem>>
    tpu.wait_dma2 semaphore(%arg15 : memref<!tpu.dma_semaphore, #tpu.memory_space<semaphore_mem>>) src(%dma_wait3A_462 : memref<32x768xf32, #tpu.memory_space<vmem>>) dst(%dma_wait3A_458 : memref<32x768xf32, #tpu.memory_space<hbm>>)
    return
  }
}

</mosaic_0001>

<sc_bundles>
// kernel: kernel.3.cloned.1.call-start
scs
__scs_entry_jumppad:
0x0: {  	(pc) =	sbr.rel $0x88, $3  }
0x1: {  	(tag) =	ssettag $0x0;
	lr =	simm.s32 $0x1  }
0x2: {  	[smem:$0x3F9F] =	sst lr;
	_ =	strace $0xD0000000  }
0x3: {  	_ = 	snop  }
0x4: {  	_ = 	snop  }
0x5: {  	_ = 	snop  }
0x6: {  	_ = 	snop  }
0x7: {  	_ = 	snop  }
__scs_overlays_trampoline_lowered:
0x8: {  	[smem:$0x3FAE] =	sst s0  }
0x9: {  	[smem:$0x3FAF] =	sst s1  }
0xa: {  	[smem:$0x3FB0] =	sst s2  }
0xb: {  	[smem:$0x3FB1] =	sst s3  }
0xc: {  	[smem:$0x3FB2] =	sst s4  }
0xd: {  	[smem:$0x3FB3] =	sst s5  }
0xe: {  	[smem:$0x3FB4] =	sst s6  }
0xf: {  	[smem:$0x3FB5] =	sst s7  }
0x10: {  	[smem:$0x3FB6] =	sst s8  }
0x11: {  	[smem:$0x3FB7] =	sst s9;
	s0 =	simm.s32 @!p0 $0x0  }
0x12: {  	s1 =	sld [smem:$0x3F9D];
	s0 =	simm.s32 @p0 $0x1  }
0x13: {  	[smem:$0x3FB8] =	sst s0;
	s0 =	simm.s32 @!p1 $0x0  }
0x14: {  	s2 =	sld [smem:$0x3F9C];
	s0 =	simm.s32 @p1 $0x1  }
0x15: {  	[smem:$0x3FB9] =	sst s0;
	s0 =	simm.s32 @!p2 $0x0  }
0x16: {  	s3 =	sld [smem:$0x3FDB];
	s0 =	simm.s32 @p2 $0x1  }
0x17: {  	s4 =	simm.s32 $0x1BF5;
	[smem:$0x3FBB] =	sst s0  }
0x18: {  	s0 =	sld [smem:$0x3F9E];
	_ =	swait.ge [sflag:s4], $0x0  }
0x19: {  	s7 =	sld [smem:$0x3F9F]  }
0x1a: {  	s8 =	sadd.s32 $0xFFFFE003, lr  }
0x1b: {  	s9 =	sadd.s32 $0xFFFFFEF7, lr;
	s5 =	simm.s32 $0xFFFFFFFF;
	p2 =	slt.u32 s8, $0xFFFFF086  }
0x1c: {  	p1 =	slt.u32 s9, $0xF7A;
	s5 =	simm.s32 @!p2 $0x0  }
0x1d: {  	s5 =	simm.s32 @p1 $0x1;
	p0 =	seq.s32 s7, s2  }
0x1e: {  	s7 =	smul.u32 @!p0 $0xF7A, s2;
	p2 =	seq.s32 @!p0 s5, $0x0  }
0x1f: {  	s9 =	smul.u32 $0xF7A, s1;
	s8 =	simm.s32 @!p0 $0x1BF5;
	p2 =	por !p2, p0  }
0x20: {  	[sflag:s8] =	ssyncset.s32 @!p0 $0xFFFFF086;
	s6 =	sadd.s32 @!p0 s3, s7;
	s7 =	simm.s32 @!p0 $0x108  }
0x21: {  	s3 =	sadd.s32 s3, s9;
	s6 =	sadd.s32 @!p0 $0x88, s6;
	s7 =	simm.s32 @p2 $0x1082  }
0x22: {  	[simem:s7], [sflag:s8] =	dma.local @!p0 [hbm:s6], $0xF7A  }
0x23: {  	s9 =	sor.u32 $0xD0000000, s2;
	s6 =	simm.s32 $0x108;
	_ =	swait.ge @!p0 [sflag:s8], $0x0  }
0x24: {  	s3 =	sadd.s32 $0x88, s3;
	s6 =	simm.s32 @!p1 $0x1082;
	[sflag:s4] =	ssyncset.s32 $0xFFFFF086  }
0x25: {  	[simem:s6], [sflag:s4] =	dma.local [hbm:s3], $0xF7A  }
0x26: {  	[smem:$0x3F9F] =	sst s1;
	(tag) =	ssettag s2;
	_ =	strace s9  }
0x27: {  	s1 =	sld [smem:$0x3FAF]  }
0x28: {  	s2 =	sld [smem:$0x3FB0]  }
0x29: {  	s4 =	sld [smem:$0x3FB2]  }
0x2a: {  	p0 =	seq.s32 s5, $0x0;
	s5 =	sld [smem:$0x3FB3]  }
0x2b: {  	s6 =	sld [smem:$0x3FB4]  }
0x2c: {  	s7 =	sld [smem:$0x3FB5]  }
0x2d: {  	s3 =	simm.s32 $0x108;
	s8 =	sld [smem:$0x3FB6]  }
0x2e: {  	s3 =	simm.s32 @!p0 $0x1082;
	s9 =	sld [smem:$0x3FB7]  }
0x2f: {  	lr =	sadd.s32 s0, s3;
	s0 =	sld [smem:$0x3FAE]  }
0x30: {  	s3 =	sld [smem:$0x3FB1]  }
0x31: {  	[smem:$0x3FBA] =	sst s10  }
0x32: {  	s10 =	sld [smem:$0x3FB8];
	_ =	sdelay $0x3  }
0x33: {  	p0 =	seq.s32 s10, $0x1;
	s10 =	sld [smem:$0x3FBA];
	_ =	sdelay $0x3  }
0x34: {  	[smem:$0x3FBA] =	sst s10  }
0x35: {  	s10 =	sld [smem:$0x3FB9];
	_ =	sdelay $0x3  }
0x36: {  	p1 =	seq.s32 s10, $0x1;
	s10 =	sld [smem:$0x3FBA];
	_ =	sdelay $0x3  }
0x37: {  	[smem:$0x3FBA] =	sst s10  }
0x38: {  	s10 =	sld [smem:$0x3FBB]  }
0x39: {  	_ = 	snop;
	(pc) =	sbr.ind lr, $3  }
0x3a: {  	_ = 	snop  }
0x3b: {  	_ = 	snop  }
0x3c: {  	p2 =	seq.s32 s10, $0x1;
	s10 =	sld [smem:$0x3FBA]  }
0x3d: {  	_ =	shalt  }
0x3e: {  	_ =	shalt  }
0x3f: {  	_ =	shalt  }
0x40: {  	_ =	shalt  }
0x41: {  	_ =	shalt  }
0x42: {  	_ =	shalt  }
0x43: {  	_ =	shalt  }
0x44: {  	_ =	shalt  }
0x45: {  	_ =	shalt  }
0x46: {  	_ =	shalt  }
0x47: {  	_ =	shalt  }
0x48: {  	_ =	shalt  }
0x49: {  	_ =	shalt  }
0x4a: {  	_ =	shalt  }
0x4b: {  	_ =	shalt  }
0x4c: {  	_ =	shalt  }
0x4d: {  	_ =	shalt  }
0x4e: {  	_ =	shalt  }
0x4f: {  	_ =	shalt  }
0x50: {  	_ =	shalt  }
0x51: {  	_ =	shalt  }
0x52: {  	_ =	shalt  }
0x53: {  	_ =	shalt  }
0x54: {  	_ =	shalt  }
0x55: {  	_ =	shalt  }
0x56: {  	_ =	shalt  }
0x57: {  	_ =	shalt  }
0x58: {  	_ =	shalt  }
0x59: {  	_ =	shalt  }
0x5a: {  	_ =	shalt  }
0x5b: {  	_ =	shalt  }
0x5c: {  	_ =	shalt  }
0x5d: {  	_ =	shalt  }
0x5e: {  	_ =	shalt  }
0x5f: {  	_ =	shalt  }
0x60: {  	_ =	shalt  }
0x61: {  	_ =	shalt  }
0x62: {  	_ =	shalt  }
0x63: {  	_ =	shalt  }
0x64: {  	_ =	shalt  }
0x65: {  	_ =	shalt  }
0x66: {  	_ =	shalt  }
0x67: {  	_ =	shalt  }
0x68: {  	_ =	shalt  }
0x69: {  	_ =	shalt  }
0x6a: {  	_ =	shalt  }
0x6b: {  	_ =	shalt  }
0x6c: {  	_ =	shalt  }
0x6d: {  	_ =	shalt  }
0x6e: {  	_ =	shalt  }
0x6f: {  	_ =	shalt  }
0x70: {  	_ =	shalt  }
0x71: {  	_ =	shalt  }
0x72: {  	_ =	shalt  }
0x73: {  	_ =	shalt  }
0x74: {  	_ =	shalt  }
0x75: {  	_ =	shalt  }
0x76: {  	_ =	shalt  }
0x77: {  	_ =	shalt  }
0x78: {  	_ =	shalt  }
0x79: {  	_ =	shalt  }
0x7a: {  	_ =	shalt  }
0x7b: {  	_ =	shalt  }
0x7c: {  	_ =	shalt  }
0x7d: {  	_ =	shalt  }
0x7e: {  	_ =	shalt  }
0x7f: {  	_ =	shalt  }
0x80: {  	_ =	shalt  }
0x81: {  	_ =	shalt  }
0x82: {  	_ =	shalt  }
0x83: {  	_ =	shalt  }
0x84: {  	_ =	shalt  }
0x85: {  	_ =	shalt  }
0x86: {  	_ =	shalt  }
0x87: {  	_ =	shalt  }
.Lfunc_end0:
.L_simem_size_0:
called_computation_lowered:
.L_overlay_start_0:
0x88: {  	s2 =	sld [smem:$0x3FD9]  }
0x89: {  	s3 =	sld [smem:$0x3FFE];
	_ =	sdelay $0x1  }
0x8a: {  	s1 =	srdreg.scid  }
0x8b: {  	s0 =	sand.u32 $0x1, s1  }
0x8c: {  	s17 =	sshll.u32 s0, $0xA;
	s2 =	sadd.s32 s3, s2  }
0x8d: {  	s2 =	sadd.s32 s2, s17  }
0x8e: {  	[smem:$0x3FC6] =	sst s2  }
0x8f: {  	_ = 	snop  }
0x90: {  	s2 =	sld [smem:$0x3FC8]  }
0x91: {  	s18 =	sld [smem:$0x3FD0];
	(tm) =	ssettm $0x1  }
0x92: {  	s4 =	sld [smem:$0x3FFB];
	_ =	sdelay $0x3  }
0x93: {  	_ =	strace s4  }
0x94: {  	s4 =	sld [smem:$0x3FFC];
	_ =	sdelay $0x3  }
0x95: {  	_ =	strace s4  }
0x96: {  	s4 =	sld [smem:$0x3FFD];
	_ =	sdelay $0x3  }
0x97: {  	_ =	strace s4  }
0x98: {  	_ =	strace $0x8FFFFFFF  }
0x99: {  	s19 =	sld [smem:$0x3FDB];
	_ =	sdelay $0x1  }
0x9a: {  	s5 =	simm.s32 $_scs_section_size  }
0x9b: {  	s6 =	simm.s32 $_size__tile_overlayer_lowered;
	s7 =	simm.s32 $_tile_overlayer_lowered  }
0x9c: {  	s22 =	simm.s32 $0x1BFF;
	s21 =	sshll.u32 s7, $0x1;
	s4 =	sadd.s32 s5, s19  }
0x9d: {  	s8 =	simm.s32 $0x0;
	s20 =	sshll.u32 s6, $0x1;
	s6 =	sadd.s32 s21, s4  }
0x9e: {  	[timem:s8], [sflag:s22] =	dma.local [hbm:s6], s20  }
0x9f: {  	_ =	swait.ge [sflag:s22], s20  }
0xa0: {  	s5 =	ssub.s32 $0x0, s20;
	[sflag:s22] =	ssyncset.done $0x0  }
0xa1: {  	[sflag:s22] =	ssyncadd.s32 s5;
	_ =	sdelay $0x1  }
0xa2: {  	s23 =	simm.s32 $0x1B8B  }
0xa3: {  	_ =	swait.ge [sflag:s23], $0x1  }
0xa4: {  	[sflag:s23] =	ssyncset.done $0x0  }
0xa5: {  	s25 =	simm.s32 $0x1B8E;
	s24 =	sld [smem:$0x3FFE];
	[sflag:s23] =	ssyncadd.s32 $0xFFFFFFFF  }
0xa6: {  	s26 =	simm.s32 $execute0_lowered;
	[smem:$0x3FD2] =	sst s25  }
0xa7: {  	s6 =	sshll.u32 s26, $0x1;
	_ =	strace $0x80000046;
	[dreg:$0x1] =	wrdreg $0xFFFFFFFF  }
0xa8: {  	s28 =	simm.s32 $_size_execute0_lowered;
	s4 =	sadd.s32 s4, s6;
	[dreg:$0x0] =	wrdreg $0x0  }
0xa9: {  	s6 =	sshll.u32 s28, $0x1;
	[dreg:$0x2] =	wrdreg s4  }
0xaa: {  	[dreg:$0x3] =	wrdreg s6  }
0xab: {  	[dreg:$0x4] =	wrdreg $0xC0  }
0xac: {  	_ =	task [dreg:s8], $0x5FFFF  }
0xad: {  	[dreg:$0x1] =	wrdreg $0xFFFFFFFF  }
0xae: {  	[dreg:$0x0] =	wrdreg $0x60  }
0xaf: {  	[dreg:$0x2] =	wrdreg s2  }
0xb0: {  	[dreg:$0x3] =	wrdreg s24  }
0xb1: {  	[dreg:$0x4] =	wrdreg s18  }
0xb2: {  	[dreg:$0x5] =	wrdreg $0x9  }
0xb3: {  	_ =	task.clear_ibuf [dreg:s8], $0x6FFFF;
	_ =	strace $0x90000046  }
0xb4: {  	s29 =	simm.s32 $0x9;
	_ =	strace $0x80000048  }
0xb5: {  	_ =	swait.ge [sflag:s29], $0x1  }
0xb6: {  	[sflag:s29] =	ssyncadd.s32 $0xFFFFFFFF  }
0xb7: {  	_ =	strace $0x90000048  }
0xb8: {  	_ =	sfence  }
0xb9: {  	s30 =	sld [smem:$0x0];
	_ =	sdelay $0x2  }
0xba: {  	s31 =	sshll.u32 s1, $0xD;
	s1 =	sshrl.u32 s1, $0x2  }
0xbb: {  	s3 =	sand.u32 $0x4000, s31;
	s1 =	sadd.s32 s1, s30  }
0xbc: {  	s0 =	sor.u32 s3, s0;
	s1 =	sshll.u32 s1, $0x11  }
0xbd: {  	s0 =	sor.u32 s1, s0  }
0xbe: {  	s0 =	sadd.s32 $0x8F2B, s0  }
0xbf: {  	[sflag:s0] =	ssyncadd.remote.s32 $0x1  }
0xc0: {  	_ =	sfence.sel $0xFFFF  }
0xc1: {  	[dreg:$0x0] =	wrdreg $0xFFFFFFFF;
	(pc) =	sbr.abs _section_cstart, $3  }
0xc2: {  	[dreg:$0x1] =	wrdreg $0xFFFFFFFF  }
0xc3: {  	_ =	task.clear_ibuf [dreg:s8], $0x2FFFF;
	_ =	strace $0x9FFFFFFF  }
0xc4: {  	(tm) =	ssettm $0x7FFFFFFF  }
0xc5: {  	_ =	shalt  }
tec
execute0_lowered:
.L_overlay_start_1:
0x0: {  	(tag) =	ssettag $0x1  }
0x1: {  	s0 =	srdreg.scid;
	s1 =	rddreg [dreg:$0x0]  }
0x2: {  	s3 =	stileid.u32;
	s4 =	rddreg [dreg:$0x1]  }
0x3: {  	s7 =	rddreg [dreg:$0x2];
	s28 =	simm.s32 $0x20;
	s29 =	simm.s32 $0x1900  }
0x4: {  	s30 =	simm.s32 $0x2100;
	s0 =	sand.u32 $0x1, s0;
	s2 =	sshll.u32 s3, $0x1  }
0x5: {  	s31 =	simm.s32 $0x2900;
	s3 =	sshrl.u32 s3, $0x2;
	s2 =	sor.u32 s0, s2  }
0x6: {  	s6 =	smul.u32 $0x180000, s3;
	s3 =	simm.s32 $0x0;
	s5 =	sand.u32 $0x7, s2  }
0x7: {  	s2 =	sshll.u32 s2, $0x5;
	[smem:$0x7FF] =	sst s3;
	s5 =	smul.u32 $0x30000, s5  }
0x8: {  	s16 =	simm.s32 $0x9100;
	s2 =	sadd.s32 s2, s4;
	_ =	strace $0x80000047  }
0x9: {  	[dreg:$0xd] =	wrdreg s28;
	s18 =	sadd.s32 $0x400, s2;
	s17 =	sadd.s32 s6, s5  }
0xa: {  	s2 =	sadd.s32 $0x404, s2;
	[dreg:$0x4] =	wrdreg s18;
	s4 =	sshrl.u32 s17, $0x3  }
0xb: {  	s0 =	ssub.s32 $0x2, s0;
	[dreg:$0x5] =	wrdreg s2;
	s4 =	sadd.s32 s7, s4  }
0xc: {  	s23 =	sshrl.u32 s0, $0x1;
	s19 =	sadd.s32 $0xC00, s4;
	[dreg:$0xe] =	wrdreg s4  }
0xd: {  	s0 =	ssub.s32 s0, s23;
	s20 =	sadd.s32 $0x1800, s4;
	[dreg:$0x6] =	wrdreg s19  }
0xe: {  	s23 =	simm.s32 $0xC100;
	s21 =	sadd.s32 $0x2400, s4;
	[dreg:$0x7] =	wrdreg s20  }
0xf: {  	s15 =	smax.u32 s0, $0x1;
	s22 =	sadd.s32 $0x3000, s4;
	[dreg:$0x8] =	wrdreg s21  }
0x10: {  	s5 =	sadd.s32 $0x100, s1;
	s24 =	sadd.s32 $0x3C00, s4;
	[dreg:$0x9] =	wrdreg s22  }
0x11: {  	s6 =	sadd.s32 $0x200, s1;
	s25 =	sadd.s32 $0x4800, s4;
	[dreg:$0xa] =	wrdreg s24  }
0x12: {  	s18 =	simm.s32 $0xA900;
	s26 =	sadd.s32 $0x5400, s4;
	[dreg:$0xb] =	wrdreg s25  }
0x13: {  	v2 =	vlaneseq.u32;
	s2 =	simm.s32 $0x12100;
	s17 =	simm.s32 $0xA100;
	[dreg:$0xc] =	wrdreg s26  }
0x14: {  	vm0 =	vmmov $0xffff;
	v1 =	vshrl.u32 v2, $0x3;
	s21 =	simm.s32 $0x7100;
	s24 =	simm.s32 $0x7900;
	s25 =	simm.s32 $0x8100  }
0x15: {  	v0 =	vand.u32 $0x7, v2;
	v2 =	vor.u32 $0x8, v2;
	v1 =	vmul.u32 $0x8, v1;
	s22 =	simm.s32 $0x9900;
	s19 =	simm.s32 $0xB100;
	s20 =	simm.s32 $0xB900  }
.LBB2_1:
0x16: {  	s26 =	rddreg [dreg:$0x4];
	s0 =	simm.s32 $0xA  }
0x17: {  	[tilespmem:s3], [sflag:$0xA] =	stream.linear.gather [hbm4b:s26+s3], $0x20, $0x38;
	[tilespmem:$0x18100] =	vst v63  }
0x18: {  	_ =	swait.ge [sflag:s0], $0x20  }
0x19: {  	s14 =	rddreg [dreg:$0x5];
	[sflag:s0] =	ssyncset.done $0x0  }
0x1a: {  	s28 =	rddreg [dreg:$0xd];
	[sflag:s0] =	ssyncadd.s32 $0xFFFFFFE0  }
0x1b: {  	[tilespmem:s28], [sflag:$0x1] =	stream.linear.gather [hbm4b:s14+s3], $0xE0, $0x38;
	[tilespmem:$0x18100] =	vst v63  }
0x1c: {  	v3 =	vld [tilespmem:$0x0];
	_ =	sdelay $0x4  }
0x1d: {  	v4 =	vshrl.u32 v3, $0x3  }
0x1e: {  	v4 =	vmul.u32 $0x30, v4  }
0x1f: {  	v3 =	vand.u32 $0x7, v3  }
0x20: {  	v3 =	vor.u32 v3, v4  }
0x21: {  	v4 =	vperm.xlane v3, v0;
	_ =	sdelay $0x1  }
0x22: {  	v4 =	vadd.s32 v1, v4;
	_ =	sdelay $0x3  }
0x23: {  	s4 =	simm.s32 $0x100;
	v3 =	vperm.xlane v3, v2  }
0x24: {  	[tilespmem:s4], [sflag:$0x2] =	stream.indirect_vreg.gather [hbm4b:s1+s3], $0x80, v4, vm0, $0xb8;
	[tilespmem:$0x18100] =	vst v63  }
0x25: {  	s26 =	simm.s32 $0x900;
	v3 =	vadd.s32 v1, v3  }
0x26: {  	[tilespmem:s26], [sflag:$0x2] =	stream.indirect_vreg.gather [hbm4b:s5+s3], $0x80, v4, vm0, $0xb8;
	[tilespmem:$0x18100] =	vst v63  }
0x27: {  	s28 =	simm.s32 $0x1100  }
0x28: {  	[tilespmem:s28], [sflag:$0x2] =	stream.indirect_vreg.gather [hbm4b:s6+s3], $0x80, v4, vm0, $0xb8;
	[tilespmem:$0x18100] =	vst v63  }
0x29: {  	_ = 	snop  }
0x2a: {  	[tilespmem:s29], [sflag:$0x2] =	stream.indirect_vreg.gather [hbm4b:s1+s3], $0x80, v3, vm0, $0xb8;
	[tilespmem:$0x18100] =	vst v63  }
0x2b: {  	_ = 	snop  }
0x2c: {  	[tilespmem:s30], [sflag:$0x2] =	stream.indirect_vreg.gather [hbm4b:s5+s3], $0x80, v3, vm0, $0xb8;
	[tilespmem:$0x18100] =	vst v63  }
0x2d: {  	_ = 	snop  }
0x2e: {  	[tilespmem:s31], [sflag:$0x2] =	stream.indirect_vreg.gather [hbm4b:s6+s3], $0x80, v3, vm0, $0xb8;
	[tilespmem:$0x18100] =	vst v63  }
0x2f: {  	v3 =	vld [tilespmem:$0x10];
	_ =	sdelay $0x4  }
0x30: {  	v49 =	vshrl.u32 v3, $0x3  }
0x31: {  	v4 =	vmul.u32 $0x30, v49  }
0x32: {  	v3 =	vand.u32 $0x7, v3  }
0x33: {  	v3 =	vor.u32 v3, v4  }
0x34: {  	v4 =	vperm.xlane v3, v0;
	_ =	sdelay $0x1  }
0x35: {  	v4 =	vadd.s32 v1, v4;
	_ =	sdelay $0x3  }
0x36: {  	s11 =	simm.s32 $0x3100;
	v3 =	vperm.xlane v3, v2  }
0x37: {  	[tilespmem:s11], [sflag:$0x2] =	stream.indirect_vreg.gather [hbm4b:s1+s3], $0x80, v4, vm0, $0xb8;
	[tilespmem:$0x18100] =	vst v63  }
0x38: {  	s9 =	simm.s32 $0x3900;
	v3 =	vadd.s32 v1, v3  }
0x39: {  	[tilespmem:s9], [sflag:$0x2] =	stream.indirect_vreg.gather [hbm4b:s5+s3], $0x80, v4, vm0, $0xb8;
	[tilespmem:$0x18100] =	vst v63  }
0x3a: {  	s10 =	simm.s32 $0x4100  }
0x3b: {  	[tilespmem:s10], [sflag:$0x2] =	stream.indirect_vreg.gather [hbm4b:s6+s3], $0x80, v4, vm0, $0xb8;
	[tilespmem:$0x18100] =	vst v63  }
0x3c: {  	s12 =	simm.s32 $0x4900  }
0x3d: {  	[tilespmem:s12], [sflag:$0x2] =	stream.indirect_vreg.gather [hbm4b:s1+s3], $0x80, v3, vm0, $0xb8;
	[tilespmem:$0x18100] =	vst v63  }
0x3e: {  	s13 =	simm.s32 $0x5100  }
0x3f: {  	[tilespmem:s13], [sflag:$0x2] =	stream.indirect_vreg.gather [hbm4b:s5+s3], $0x80, v3, vm0, $0xb8;
	[tilespmem:$0x18100] =	vst v63  }
0x40: {  	s14 =	simm.s32 $0x5900;
	s4 =	simm.s32 $0x1  }
0x41: {  	[tilespmem:s14], [sflag:$0x2] =	stream.indirect_vreg.gather [hbm4b:s6+s3], $0x80, v3, vm0, $0xb8;
	[tilespmem:$0x18100] =	vst v63  }
0x42: {  	_ =	swait.ge [sflag:s4], $0xE0  }
0x43: {  	[sflag:s4] =	ssyncset.done $0x0  }
0x44: {  	[sflag:s4] =	ssyncadd.s32 $0xFFFFFF20  }
0x45: {  	v3 =	vld [tilespmem:$0x20];
	_ =	sdelay $0x4  }
0x46: {  	v50 =	vshrl.u32 v3, $0x3  }
0x47: {  	v4 =	vmul.u32 $0x30, v50  }
0x48: {  	v3 =	vand.u32 $0x7, v3  }
0x49: {  	v3 =	vor.u32 v3, v4  }
0x4a: {  	v4 =	vperm.xlane v3, v0;
	_ =	sdelay $0x1  }
0x4b: {  	v4 =	vadd.s32 v1, v4;
	_ =	sdelay $0x3  }
0x4c: {  	s7 =	simm.s32 $0x6100;
	v3 =	vperm.xlane v3, v2  }
0x4d: {  	[tilespmem:s7], [sflag:$0x3] =	stream.indirect_vreg.gather [hbm4b:s1+s3], $0x80, v4, vm0, $0xb8;
	[tilespmem:$0x18100] =	vst v63  }
0x4e: {  	s4 =	simm.s32 $0x6900;
	v3 =	vadd.s32 v1, v3  }
0x4f: {  	[tilespmem:s4], [sflag:$0x3] =	stream.indirect_vreg.gather [hbm4b:s5+s3], $0x80, v4, vm0, $0xb8;
	[tilespmem:$0x18100] =	vst v63  }
0x50: {  	_ = 	snop  }
0x51: {  	[tilespmem:s21], [sflag:$0x3] =	stream.indirect_vreg.gather [hbm4b:s6+s3], $0x80, v4, vm0, $0xb8;
	[tilespmem:$0x18100] =	vst v63  }
0x52: {  	_ = 	snop  }
0x53: {  	[tilespmem:s24], [sflag:$0x3] =	stream.indirect_vreg.gather [hbm4b:s1+s3], $0x80, v3, vm0, $0xb8;
	[tilespmem:$0x18100] =	vst v63  }
0x54: {  	_ = 	snop  }
0x55: {  	[tilespmem:s25], [sflag:$0x3] =	stream.indirect_vreg.gather [hbm4b:s5+s3], $0x80, v3, vm0, $0xb8;
	[tilespmem:$0x18100] =	vst v63  }
0x56: {  	s8 =	simm.s32 $0x8900  }
0x57: {  	[tilespmem:s8], [sflag:$0x3] =	stream.indirect_vreg.gather [hbm4b:s6+s3], $0x80, v3, vm0, $0xb8;
	[tilespmem:$0x18100] =	vst v63  }
0x58: {  	v3 =	vld [tilespmem:$0x30];
	_ =	sdelay $0x4  }
0x59: {  	v51 =	vshrl.u32 v3, $0x3  }
0x5a: {  	v4 =	vmul.u32 $0x30, v51  }
0x5b: {  	v3 =	vand.u32 $0x7, v3  }
0x5c: {  	v3 =	vor.u32 v3, v4  }
0x5d: {  	v4 =	vperm.xlane v3, v0;
	_ =	sdelay $0x1  }
0x5e: {  	v4 =	vadd.s32 v1, v4;
	_ =	sdelay $0x3  }
0x5f: {  	v3 =	vperm.xlane v3, v2  }
0x60: {  	[tilespmem:s16], [sflag:$0x3] =	stream.indirect_vreg.gather [hbm4b:s1+s3], $0x80, v4, vm0, $0xb8;
	[tilespmem:$0x18100] =	vst v63  }
0x61: {  	v3 =	vadd.s32 v1, v3  }
0x62: {  	[tilespmem:s22], [sflag:$0x3] =	stream.indirect_vreg.gather [hbm4b:s5+s3], $0x80, v4, vm0, $0xb8;
	[tilespmem:$0x18100] =	vst v63  }
0x63: {  	_ = 	snop  }
0x64: {  	[tilespmem:s17], [sflag:$0x3] =	stream.indirect_vreg.gather [hbm4b:s6+s3], $0x80, v4, vm0, $0xb8;
	[tilespmem:$0x18100] =	vst v63  }
0x65: {  	_ = 	snop  }
0x66: {  	[tilespmem:s18], [sflag:$0x3] =	stream.indirect_vreg.gather [hbm4b:s1+s3], $0x80, v3, vm0, $0xb8;
	[tilespmem:$0x18100] =	vst v63  }
0x67: {  	_ = 	snop  }
0x68: {  	[tilespmem:s19], [sflag:$0x3] =	stream.indirect_vreg.gather [hbm4b:s5+s3], $0x80, v3, vm0, $0xb8;
	[tilespmem:$0x18100] =	vst v63  }
0x69: {  	_ = 	snop  }
0x6a: {  	[tilespmem:s20], [sflag:$0x3] =	stream.indirect_vreg.gather [hbm4b:s6+s3], $0x80, v3, vm0, $0xb8;
	[tilespmem:$0x18100] =	vst v63  }
0x6b: {  	v3 =	vld [tilespmem:$0x40];
	_ =	sdelay $0x4  }
0x6c: {  	v52 =	vshrl.u32 v3, $0x3  }
0x6d: {  	v4 =	vmul.u32 $0x30, v52  }
0x6e: {  	v3 =	vand.u32 $0x7, v3  }
0x6f: {  	v3 =	vor.u32 v3, v4  }
0x70: {  	v4 =	vperm.xlane v3, v0;
	_ =	sdelay $0x1  }
0x71: {  	v4 =	vadd.s32 v1, v4;
	_ =	sdelay $0x3  }
0x72: {  	v3 =	vperm.xlane v3, v2  }
0x73: {  	[tilespmem:s23], [sflag:$0x4] =	stream.indirect_vreg.gather [hbm4b:s1+s3], $0x80, v4, vm0, $0xb8;
	[tilespmem:$0x18100] =	vst v63  }
0x74: {  	s7 =	simm.s32 $0xC900;
	v3 =	vadd.s32 v1, v3  }
0x75: {  	[tilespmem:s7], [sflag:$0x4] =	stream.indirect_vreg.gather [hbm4b:s5+s3], $0x80, v4, vm0, $0xb8;
	[tilespmem:$0x18100] =	vst v63  }
0x76: {  	s8 =	simm.s32 $0xD100  }
0x77: {  	[tilespmem:s8], [sflag:$0x4] =	stream.indirect_vreg.gather [hbm4b:s6+s3], $0x80, v4, vm0, $0xb8;
	[tilespmem:$0x18100] =	vst v63  }
0x78: {  	s7 =	simm.s32 $0xD900  }
0x79: {  	[tilespmem:s7], [sflag:$0x4] =	stream.indirect_vreg.gather [hbm4b:s1+s3], $0x80, v3, vm0, $0xb8;
	[tilespmem:$0x18100] =	vst v63  }
0x7a: {  	s8 =	simm.s32 $0xE100  }
0x7b: {  	[tilespmem:s8], [sflag:$0x4] =	stream.indirect_vreg.gather [hbm4b:s5+s3], $0x80, v3, vm0, $0xb8;
	[tilespmem:$0x18100] =	vst v63  }
0x7c: {  	s7 =	simm.s32 $0xE900  }
0x7d: {  	[tilespmem:s7], [sflag:$0x4] =	stream.indirect_vreg.gather [hbm4b:s6+s3], $0x80, v3, vm0, $0xb8;
	[tilespmem:$0x18100] =	vst v63  }
0x7e: {  	v3 =	vld [tilespmem:$0x50];
	_ =	sdelay $0x4  }
0x7f: {  	v53 =	vshrl.u32 v3, $0x3  }
0x80: {  	v4 =	vmul.u32 $0x30, v53  }
0x81: {  	v3 =	vand.u32 $0x7, v3  }
0x82: {  	v3 =	vor.u32 v3, v4  }
0x83: {  	v4 =	vperm.xlane v3, v0;
	_ =	sdelay $0x1  }
0x84: {  	v4 =	vadd.s32 v1, v4;
	_ =	sdelay $0x3  }
0x85: {  	s8 =	simm.s32 $0xF100;
	v3 =	vperm.xlane v3, v2  }
0x86: {  	[tilespmem:s8], [sflag:$0x4] =	stream.indirect_vreg.gather [hbm4b:s1+s3], $0x80, v4, vm0, $0xb8;
	[tilespmem:$0x18100] =	vst v63  }
0x87: {  	s7 =	simm.s32 $0xF900;
	v3 =	vadd.s32 v1, v3  }
0x88: {  	[tilespmem:s7], [sflag:$0x4] =	stream.indirect_vreg.gather [hbm4b:s5+s3], $0x80, v4, vm0, $0xb8;
	[tilespmem:$0x18100] =	vst v63  }
0x89: {  	s8 =	simm.s32 $0x10100  }
0x8a: {  	[tilespmem:s8], [sflag:$0x4] =	stream.indirect_vreg.gather [hbm4b:s6+s3], $0x80, v4, vm0, $0xb8;
	[tilespmem:$0x18100] =	vst v63  }
0x8b: {  	s7 =	simm.s32 $0x10900  }
0x8c: {  	[tilespmem:s7], [sflag:$0x4] =	stream.indirect_vreg.gather [hbm4b:s1+s3], $0x80, v3, vm0, $0xb8;
	[tilespmem:$0x18100] =	vst v63  }
0x8d: {  	s8 =	simm.s32 $0x11100  }
0x8e: {  	[tilespmem:s8], [sflag:$0x4] =	stream.indirect_vreg.gather [hbm4b:s5+s3], $0x80, v3, vm0, $0xb8;
	[tilespmem:$0x18100] =	vst v63  }
0x8f: {  	s7 =	simm.s32 $0x11900  }
0x90: {  	[tilespmem:s7], [sflag:$0x4] =	stream.indirect_vreg.gather [hbm4b:s6+s3], $0x80, v3, vm0, $0xb8;
	[tilespmem:$0x18100] =	vst v63  }
0x91: {  	v3 =	vld [tilespmem:$0x60];
	_ =	sdelay $0x4  }
0x92: {  	v54 =	vshrl.u32 v3, $0x3  }
0x93: {  	v4 =	vmul.u32 $0x30, v54  }
0x94: {  	v3 =	vand.u32 $0x7, v3  }
0x95: {  	v3 =	vor.u32 v3, v4  }
0x96: {  	v4 =	vperm.xlane v3, v0;
	_ =	sdelay $0x1  }
0x97: {  	v4 =	vadd.s32 v1, v4;
	_ =	sdelay $0x3  }
0x98: {  	v3 =	vperm.xlane v3, v2  }
0x99: {  	[tilespmem:s2], [sflag:$0x5] =	stream.indirect_vreg.gather [hbm4b:s1+s3], $0x80, v4, vm0, $0xb8;
	[tilespmem:$0x18100] =	vst v63  }
0x9a: {  	s8 =	simm.s32 $0x12900;
	v3 =	vadd.s32 v1, v3  }
0x9b: {  	[tilespmem:s8], [sflag:$0x5] =	stream.indirect_vreg.gather [hbm4b:s5+s3], $0x80, v4, vm0, $0xb8;
	[tilespmem:$0x18100] =	vst v63  }
0x9c: {  	s7 =	simm.s32 $0x13100  }
0x9d: {  	[tilespmem:s7], [sflag:$0x5] =	stream.indirect_vreg.gather [hbm4b:s6+s3], $0x80, v4, vm0, $0xb8;
	[tilespmem:$0x18100] =	vst v63  }
0x9e: {  	s8 =	simm.s32 $0x13900  }
0x9f: {  	[tilespmem:s8], [sflag:$0x5] =	stream.indirect_vreg.gather [hbm4b:s1+s3], $0x80, v3, vm0, $0xb8;
	[tilespmem:$0x18100] =	vst v63  }
0xa0: {  	s7 =	simm.s32 $0x14100  }
0xa1: {  	[tilespmem:s7], [sflag:$0x5] =	stream.indirect_vreg.gather [hbm4b:s5+s3], $0x80, v3, vm0, $0xb8;
	[tilespmem:$0x18100] =	vst v63  }
0xa2: {  	s8 =	simm.s32 $0x14900  }
0xa3: {  	[tilespmem:s8], [sflag:$0x5] =	stream.indirect_vreg.gather [hbm4b:s6+s3], $0x80, v3, vm0, $0xb8;
	[tilespmem:$0x18100] =	vst v63  }
0xa4: {  	v3 =	vld [tilespmem:$0x70];
	_ =	sdelay $0x4  }
0xa5: {  	v55 =	vshrl.u32 v3, $0x3  }
0xa6: {  	v4 =	vmul.u32 $0x30, v55  }
0xa7: {  	v3 =	vand.u32 $0x7, v3  }
0xa8: {  	v3 =	vor.u32 v3, v4  }
0xa9: {  	v4 =	vperm.xlane v3, v0;
	_ =	sdelay $0x1  }
0xaa: {  	v4 =	vadd.s32 v1, v4;
	_ =	sdelay $0x3  }
0xab: {  	s7 =	simm.s32 $0x15100;
	v3 =	vperm.xlane v3, v2  }
0xac: {  	[tilespmem:s7], [sflag:$0x5] =	stream.indirect_vreg.gather [hbm4b:s1+s3], $0x80, v4, vm0, $0xb8;
	[tilespmem:$0x18100] =	vst v63  }
0xad: {  	s8 =	simm.s32 $0x15900;
	v3 =	vadd.s32 v1, v3  }
0xae: {  	[tilespmem:s8], [sflag:$0x5] =	stream.indirect_vreg.gather [hbm4b:s5+s3], $0x80, v4, vm0, $0xb8;
	[tilespmem:$0x18100] =	vst v63  }
0xaf: {  	s7 =	simm.s32 $0x16100  }
0xb0: {  	[tilespmem:s7], [sflag:$0x5] =	stream.indirect_vreg.gather [hbm4b:s6+s3], $0x80, v4, vm0, $0xb8;
	[tilespmem:$0x18100] =	vst v63  }
0xb1: {  	s8 =	simm.s32 $0x16900  }
0xb2: {  	[tilespmem:s8], [sflag:$0x5] =	stream.indirect_vreg.gather [hbm4b:s1+s3], $0x80, v3, vm0, $0xb8;
	[tilespmem:$0x18100] =	vst v63  }
0xb3: {  	s7 =	simm.s32 $0x17100  }
0xb4: {  	[tilespmem:s7], [sflag:$0x5] =	stream.indirect_vreg.gather [hbm4b:s5+s3], $0x80, v3, vm0, $0xb8;
	[tilespmem:$0x18100] =	vst v63  }
0xb5: {  	s0 =	simm.s32 $0x2;
	s8 =	simm.s32 $0x17900  }
0xb6: {  	[tilespmem:s8], [sflag:$0x5] =	stream.indirect_vreg.gather [hbm4b:s6+s3], $0x80, v3, vm0, $0xb8;
	[tilespmem:$0x18100] =	vst v63  }
0xb7: {  	_ =	swait.ge [sflag:s0], $0x6000  }
0xb8: {  	[sflag:s0] =	ssyncset.done $0x0  }
0xb9: {  	s7 =	simm.s32 $0x100;
	s8 =	rddreg [dreg:$0xe];
	[sflag:s0] =	ssyncadd.s32 $0xFFFFA000  }
0xba: {  	[hbm4b:s8+s3] =	stream.linear.scatter [tilespmem:s7], [sflag:$0x6], $0x6000, $0x38;
	[tilespmem:$0x18100] =	vst v63  }
0xbb: {  	s8 =	simm.s32 $0x6  }
0xbc: {  	_ =	swait.ge [sflag:s8], $0x6000  }
0xbd: {  	[sflag:s8] =	ssyncset.done $0x0  }
0xbe: {  	[sflag:s8] =	ssyncadd.s32 $0xFFFFA000  }
0xbf: {  	v3 =	vld [tilespmem:$0x80];
	_ =	sdelay $0x4  }
0xc0: {  	v56 =	vshrl.u32 v3, $0x3  }
0xc1: {  	v4 =	vmul.u32 $0x30, v56  }
0xc2: {  	v3 =	vand.u32 $0x7, v3  }
0xc3: {  	v3 =	vor.u32 v3, v4  }
0xc4: {  	v4 =	vperm.xlane v3, v0;
	_ =	sdelay $0x1  }
0xc5: {  	v4 =	vadd.s32 v1, v4;
	_ =	sdelay $0x3  }
0xc6: {  	v3 =	vperm.xlane v3, v2  }
0xc7: {  	[tilespmem:s7], [sflag:$0x2] =	stream.indirect_vreg.gather [hbm4b:s1+s3], $0x80, v4, vm0, $0xb8;
	[tilespmem:$0x18100] =	vst v63  }
0xc8: {  	v3 =	vadd.s32 v1, v3  }
0xc9: {  	[tilespmem:s26], [sflag:$0x2] =	stream.indirect_vreg.gather [hbm4b:s5+s3], $0x80, v4, vm0, $0xb8;
	[tilespmem:$0x18100] =	vst v63  }
0xca: {  	_ = 	snop  }
0xcb: {  	[tilespmem:s28], [sflag:$0x2] =	stream.indirect_vreg.gather [hbm4b:s6+s3], $0x80, v4, vm0, $0xb8;
	[tilespmem:$0x18100] =	vst v63  }
0xcc: {  	_ = 	snop  }
0xcd: {  	[tilespmem:s29], [sflag:$0x2] =	stream.indirect_vreg.gather [hbm4b:s1+s3], $0x80, v3, vm0, $0xb8;
	[tilespmem:$0x18100] =	vst v63  }
0xce: {  	_ = 	snop  }
0xcf: {  	[tilespmem:s30], [sflag:$0x2] =	stream.indirect_vreg.gather [hbm4b:s5+s3], $0x80, v3, vm0, $0xb8;
	[tilespmem:$0x18100] =	vst v63  }
0xd0: {  	_ = 	snop  }
0xd1: {  	[tilespmem:s31], [sflag:$0x2] =	stream.indirect_vreg.gather [hbm4b:s6+s3], $0x80, v3, vm0, $0xb8;
	[tilespmem:$0x18100] =	vst v63  }
0xd2: {  	v3 =	vld [tilespmem:$0x90];
	_ =	sdelay $0x4  }
0xd3: {  	v57 =	vshrl.u32 v3, $0x3  }
0xd4: {  	v4 =	vmul.u32 $0x30, v57  }
0xd5: {  	v3 =	vand.u32 $0x7, v3  }
0xd6: {  	v3 =	vor.u32 v3, v4  }
0xd7: {  	v4 =	vperm.xlane v3, v0;
	_ =	sdelay $0x1  }
0xd8: {  	v4 =	vadd.s32 v1, v4;
	_ =	sdelay $0x3  }
0xd9: {  	v3 =	vperm.xlane v3, v2  }
0xda: {  	[tilespmem:s11], [sflag:$0x2] =	stream.indirect_vreg.gather [hbm4b:s1+s3], $0x80, v4, vm0, $0xb8;
	[tilespmem:$0x18100] =	vst v63  }
0xdb: {  	v3 =	vadd.s32 v1, v3  }
0xdc: {  	[tilespmem:s9], [sflag:$0x2] =	stream.indirect_vreg.gather [hbm4b:s5+s3], $0x80, v4, vm0, $0xb8;
	[tilespmem:$0x18100] =	vst v63  }
0xdd: {  	_ = 	snop  }
0xde: {  	[tilespmem:s10], [sflag:$0x2] =	stream.indirect_vreg.gather [hbm4b:s6+s3], $0x80, v4, vm0, $0xb8;
	[tilespmem:$0x18100] =	vst v63  }
0xdf: {  	_ = 	snop  }
0xe0: {  	[tilespmem:s12], [sflag:$0x2] =	stream.indirect_vreg.gather [hbm4b:s1+s3], $0x80, v3, vm0, $0xb8;
	[tilespmem:$0x18100] =	vst v63  }
0xe1: {  	_ = 	snop  }
0xe2: {  	[tilespmem:s13], [sflag:$0x2] =	stream.indirect_vreg.gather [hbm4b:s5+s3], $0x80, v3, vm0, $0xb8;
	[tilespmem:$0x18100] =	vst v63  }
0xe3: {  	s9 =	simm.s32 $0x3  }
0xe4: {  	[tilespmem:s14], [sflag:$0x2] =	stream.indirect_vreg.gather [hbm4b:s6+s3], $0x80, v3, vm0, $0xb8;
	[tilespmem:$0x18100] =	vst v63  }
0xe5: {  	_ =	swait.ge [sflag:s9], $0x6000  }
0xe6: {  	s10 =	simm.s32 $0x7;
	[sflag:s9] =	ssyncset.done $0x0  }
0xe7: {  	s12 =	simm.s32 $0x6100;
	s11 =	rddreg [dreg:$0x6];
	[sflag:s9] =	ssyncadd.s32 $0xFFFFA000  }
0xe8: {  	[hbm4b:s11+s3] =	stream.linear.scatter [tilespmem:s12], [sflag:$0x7], $0x6000, $0x38;
	[tilespmem:$0x18100] =	vst v63  }
0xe9: {  	_ =	swait.ge [sflag:s10], $0x6000  }
0xea: {  	[sflag:s10] =	ssyncset.done $0x0  }
0xeb: {  	[sflag:s10] =	ssyncadd.s32 $0xFFFFA000  }
0xec: {  	v3 =	vld [tilespmem:$0xA0];
	_ =	sdelay $0x4  }
0xed: {  	v58 =	vshrl.u32 v3, $0x3  }
0xee: {  	v4 =	vmul.u32 $0x30, v58  }
0xef: {  	v3 =	vand.u32 $0x7, v3  }
0xf0: {  	v3 =	vor.u32 v3, v4  }
0xf1: {  	v4 =	vperm.xlane v3, v0;
	_ =	sdelay $0x1  }
0xf2: {  	v4 =	vadd.s32 v1, v4;
	_ =	sdelay $0x3  }
0xf3: {  	v3 =	vperm.xlane v3, v2  }
0xf4: {  	[tilespmem:s12], [sflag:$0x3] =	stream.indirect_vreg.gather [hbm4b:s1+s3], $0x80, v4, vm0, $0xb8;
	[tilespmem:$0x18100] =	vst v63  }
0xf5: {  	v3 =	vadd.s32 v1, v3  }
0xf6: {  	[tilespmem:s4], [sflag:$0x3] =	stream.indirect_vreg.gather [hbm4b:s5+s3], $0x80, v4, vm0, $0xb8;
	[tilespmem:$0x18100] =	vst v63  }
0xf7: {  	_ = 	snop  }
0xf8: {  	[tilespmem:s21], [sflag:$0x3] =	stream.indirect_vreg.gather [hbm4b:s6+s3], $0x80, v4, vm0, $0xb8;
	[tilespmem:$0x18100] =	vst v63  }
0xf9: {  	_ = 	snop  }
0xfa: {  	[tilespmem:s24], [sflag:$0x3] =	stream.indirect_vreg.gather [hbm4b:s1+s3], $0x80, v3, vm0, $0xb8;
	[tilespmem:$0x18100] =	vst v63  }
0xfb: {  	_ = 	snop  }
0xfc: {  	[tilespmem:s25], [sflag:$0x3] =	stream.indirect_vreg.gather [hbm4b:s5+s3], $0x80, v3, vm0, $0xb8;
	[tilespmem:$0x18100] =	vst v63  }
0xfd: {  	s13 =	simm.s32 $0x8900  }
0xfe: {  	[tilespmem:s13], [sflag:$0x3] =	stream.indirect_vreg.gather [hbm4b:s6+s3], $0x80, v3, vm0, $0xb8;
	[tilespmem:$0x18100] =	vst v63  }
0xff: {  	v3 =	vld [tilespmem:$0xB0];
	_ =	sdelay $0x4  }
0x100: {  	v59 =	vshrl.u32 v3, $0x3  }
0x101: {  	v4 =	vmul.u32 $0x30, v59  }
0x102: {  	v3 =	vand.u32 $0x7, v3  }
0x103: {  	v3 =	vor.u32 v3, v4  }
0x104: {  	v4 =	vperm.xlane v3, v0;
	_ =	sdelay $0x1  }
0x105: {  	v4 =	vadd.s32 v1, v4;
	_ =	sdelay $0x3  }
0x106: {  	v3 =	vperm.xlane v3, v2  }
0x107: {  	[tilespmem:s16], [sflag:$0x3] =	stream.indirect_vreg.gather [hbm4b:s1+s3], $0x80, v4, vm0, $0xb8;
	[tilespmem:$0x18100] =	vst v63  }
0x108: {  	v3 =	vadd.s32 v1, v3  }
0x109: {  	[tilespmem:s22], [sflag:$0x3] =	stream.indirect_vreg.gather [hbm4b:s5+s3], $0x80, v4, vm0, $0xb8;
	[tilespmem:$0x18100] =	vst v63  }
0x10a: {  	_ = 	snop  }
0x10b: {  	[tilespmem:s17], [sflag:$0x3] =	stream.indirect_vreg.gather [hbm4b:s6+s3], $0x80, v4, vm0, $0xb8;
	[tilespmem:$0x18100] =	vst v63  }
0x10c: {  	_ = 	snop  }
0x10d: {  	[tilespmem:s18], [sflag:$0x3] =	stream.indirect_vreg.gather [hbm4b:s1+s3], $0x80, v3, vm0, $0xb8;
	[tilespmem:$0x18100] =	vst v63  }
0x10e: {  	_ = 	snop  }
0x10f: {  	[tilespmem:s19], [sflag:$0x3] =	stream.indirect_vreg.gather [hbm4b:s5+s3], $0x80, v3, vm0, $0xb8;
	[tilespmem:$0x18100] =	vst v63  }
0x110: {  	s4 =	simm.s32 $0x4  }
0x111: {  	[tilespmem:s20], [sflag:$0x3] =	stream.indirect_vreg.gather [hbm4b:s6+s3], $0x80, v3, vm0, $0xb8;
	[tilespmem:$0x18100] =	vst v63  }
0x112: {  	_ =	swait.ge [sflag:s4], $0x6000  }
0x113: {  	[sflag:s4] =	ssyncset.done $0x0  }
0x114: {  	s11 =	simm.s32 $0x8;
	s14 =	rddreg [dreg:$0x7];
	[sflag:s4] =	ssyncadd.s32 $0xFFFFA000  }
0x115: {  	[hbm4b:s14+s3] =	stream.linear.scatter [tilespmem:s23], [sflag:$0x8], $0x6000, $0x38;
	[tilespmem:$0x18100] =	vst v63  }
0x116: {  	_ =	swait.ge [sflag:s11], $0x6000  }
0x117: {  	[sflag:s11] =	ssyncset.done $0x0  }
0x118: {  	[sflag:s11] =	ssyncadd.s32 $0xFFFFA000  }
0x119: {  	v3 =	vld [tilespmem:$0xC0];
	_ =	sdelay $0x4  }
0x11a: {  	v60 =	vshrl.u32 v3, $0x3  }
0x11b: {  	v4 =	vmul.u32 $0x30, v60  }
0x11c: {  	v3 =	vand.u32 $0x7, v3  }
0x11d: {  	v3 =	vor.u32 v3, v4  }
0x11e: {  	v4 =	vperm.xlane v3, v0;
	_ =	sdelay $0x1  }
0x11f: {  	v4 =	vadd.s32 v1, v4;
	_ =	sdelay $0x3  }
0x120: {  	v3 =	vperm.xlane v3, v2  }
0x121: {  	[tilespmem:s23], [sflag:$0x4] =	stream.indirect_vreg.gather [hbm4b:s1+s3], $0x80, v4, vm0, $0xb8;
	[tilespmem:$0x18100] =	vst v63  }
0x122: {  	s26 =	simm.s32 $0xC900;
	v3 =	vadd.s32 v1, v3  }
0x123: {  	[tilespmem:s26], [sflag:$0x4] =	stream.indirect_vreg.gather [hbm4b:s5+s3], $0x80, v4, vm0, $0xb8;
	[tilespmem:$0x18100] =	vst v63  }
0x124: {  	s28 =	simm.s32 $0xD100  }
0x125: {  	[tilespmem:s28], [sflag:$0x4] =	stream.indirect_vreg.gather [hbm4b:s6+s3], $0x80, v4, vm0, $0xb8;
	[tilespmem:$0x18100] =	vst v63  }
0x126: {  	s13 =	simm.s32 $0xD900  }
0x127: {  	[tilespmem:s13], [sflag:$0x4] =	stream.indirect_vreg.gather [hbm4b:s1+s3], $0x80, v3, vm0, $0xb8;
	[tilespmem:$0x18100] =	vst v63  }
0x128: {  	s14 =	simm.s32 $0xE100  }
0x129: {  	[tilespmem:s14], [sflag:$0x4] =	stream.indirect_vreg.gather [hbm4b:s5+s3], $0x80, v3, vm0, $0xb8;
	[tilespmem:$0x18100] =	vst v63  }
0x12a: {  	s26 =	simm.s32 $0xE900  }
0x12b: {  	[tilespmem:s26], [sflag:$0x4] =	stream.indirect_vreg.gather [hbm4b:s6+s3], $0x80, v3, vm0, $0xb8;
	[tilespmem:$0x18100] =	vst v63  }
0x12c: {  	v3 =	vld [tilespmem:$0xD0];
	_ =	sdelay $0x4  }
0x12d: {  	v61 =	vshrl.u32 v3, $0x3  }
0x12e: {  	v4 =	vmul.u32 $0x30, v61  }
0x12f: {  	v3 =	vand.u32 $0x7, v3  }
0x130: {  	v3 =	vor.u32 v3, v4  }
0x131: {  	v4 =	vperm.xlane v3, v0;
	_ =	sdelay $0x1  }
0x132: {  	v4 =	vadd.s32 v1, v4;
	_ =	sdelay $0x3  }
0x133: {  	s28 =	simm.s32 $0xF100;
	v3 =	vperm.xlane v3, v2  }
0x134: {  	[tilespmem:s28], [sflag:$0x4] =	stream.indirect_vreg.gather [hbm4b:s1+s3], $0x80, v4, vm0, $0xb8;
	[tilespmem:$0x18100] =	vst v63  }
0x135: {  	s13 =	simm.s32 $0xF900;
	v3 =	vadd.s32 v1, v3  }
0x136: {  	[tilespmem:s13], [sflag:$0x4] =	stream.indirect_vreg.gather [hbm4b:s5+s3], $0x80, v4, vm0, $0xb8;
	[tilespmem:$0x18100] =	vst v63  }
0x137: {  	s14 =	simm.s32 $0x10100  }
0x138: {  	[tilespmem:s14], [sflag:$0x4] =	stream.indirect_vreg.gather [hbm4b:s6+s3], $0x80, v4, vm0, $0xb8;
	[tilespmem:$0x18100] =	vst v63  }
0x139: {  	s26 =	simm.s32 $0x10900  }
0x13a: {  	[tilespmem:s26], [sflag:$0x4] =	stream.indirect_vreg.gather [hbm4b:s1+s3], $0x80, v3, vm0, $0xb8;
	[tilespmem:$0x18100] =	vst v63  }
0x13b: {  	s28 =	simm.s32 $0x11100  }
0x13c: {  	[tilespmem:s28], [sflag:$0x4] =	stream.indirect_vreg.gather [hbm4b:s5+s3], $0x80, v3, vm0, $0xb8;
	[tilespmem:$0x18100] =	vst v63  }
0x13d: {  	s12 =	simm.s32 $0x5;
	s13 =	simm.s32 $0x11900  }
0x13e: {  	[tilespmem:s13], [sflag:$0x4] =	stream.indirect_vreg.gather [hbm4b:s6+s3], $0x80, v3, vm0, $0xb8;
	[tilespmem:$0x18100] =	vst v63  }
0x13f: {  	_ =	swait.ge [sflag:s12], $0x6000  }
0x140: {  	[sflag:s12] =	ssyncset.done $0x0  }
0x141: {  	s13 =	simm.s32 $0x9;
	s14 =	rddreg [dreg:$0x8];
	[sflag:s12] =	ssyncadd.s32 $0xFFFFA000  }
0x142: {  	[hbm4b:s14+s3] =	stream.linear.scatter [tilespmem:s2], [sflag:$0x9], $0x6000, $0x38;
	[tilespmem:$0x18100] =	vst v63  }
0x143: {  	_ =	swait.ge [sflag:s13], $0x6000  }
0x144: {  	[sflag:s13] =	ssyncset.done $0x0  }
0x145: {  	[sflag:s13] =	ssyncadd.s32 $0xFFFFA000  }
0x146: {  	v3 =	vld [tilespmem:$0xE0];
	_ =	sdelay $0x4  }
0x147: {  	v62 =	vshrl.u32 v3, $0x3  }
0x148: {  	v4 =	vmul.u32 $0x30, v62  }
0x149: {  	v3 =	vand.u32 $0x7, v3  }
0x14a: {  	v3 =	vor.u32 v3, v4  }
0x14b: {  	v4 =	vperm.xlane v3, v0;
	_ =	sdelay $0x1  }
0x14c: {  	v4 =	vadd.s32 v1, v4;
	_ =	sdelay $0x3  }
0x14d: {  	v3 =	vperm.xlane v3, v2  }
0x14e: {  	[tilespmem:s2], [sflag:$0x5] =	stream.indirect_vreg.gather [hbm4b:s1+s3], $0x80, v4, vm0, $0xb8;
	[tilespmem:$0x18100] =	vst v63  }
0x14f: {  	s28 =	simm.s32 $0x12900;
	v3 =	vadd.s32 v1, v3  }
0x150: {  	[tilespmem:s28], [sflag:$0x5] =	stream.indirect_vreg.gather [hbm4b:s5+s3], $0x80, v4, vm0, $0xb8;
	[tilespmem:$0x18100] =	vst v63  }
0x151: {  	s26 =	simm.s32 $0x13100  }
0x152: {  	[tilespmem:s26], [sflag:$0x5] =	stream.indirect_vreg.gather [hbm4b:s6+s3], $0x80, v4, vm0, $0xb8;
	[tilespmem:$0x18100] =	vst v63  }
0x153: {  	s28 =	simm.s32 $0x13900  }
0x154: {  	[tilespmem:s28], [sflag:$0x5] =	stream.indirect_vreg.gather [hbm4b:s1+s3], $0x80, v3, vm0, $0xb8;
	[tilespmem:$0x18100] =	vst v63  }
0x155: {  	s26 =	simm.s32 $0x14100  }
0x156: {  	[tilespmem:s26], [sflag:$0x5] =	stream.indirect_vreg.gather [hbm4b:s5+s3], $0x80, v3, vm0, $0xb8;
	[tilespmem:$0x18100] =	vst v63  }
0x157: {  	s28 =	simm.s32 $0x14900  }
0x158: {  	[tilespmem:s28], [sflag:$0x5] =	stream.indirect_vreg.gather [hbm4b:s6+s3], $0x80, v3, vm0, $0xb8;
	[tilespmem:$0x18100] =	vst v63  }
0x159: {  	v3 =	vld [tilespmem:$0xF0];
	_ =	sdelay $0x4  }
0x15a: {  	v63 =	vshrl.u32 v3, $0x3  }
0x15b: {  	v4 =	vmul.u32 $0x30, v63  }
0x15c: {  	v3 =	vand.u32 $0x7, v3  }
0x15d: {  	v3 =	vor.u32 v3, v4  }
0x15e: {  	v4 =	vperm.xlane v3, v0;
	_ =	sdelay $0x1  }
0x15f: {  	v4 =	vadd.s32 v1, v4;
	_ =	sdelay $0x3  }
0x160: {  	s26 =	simm.s32 $0x15100;
	v3 =	vperm.xlane v3, v2  }
0x161: {  	[tilespmem:s26], [sflag:$0x5] =	stream.indirect_vreg.gather [hbm4b:s1+s3], $0x80, v4, vm0, $0xb8;
	[tilespmem:$0x18100] =	vst v63  }
0x162: {  	s28 =	simm.s32 $0x15900;
	v3 =	vadd.s32 v1, v3  }
0x163: {  	[tilespmem:s28], [sflag:$0x5] =	stream.indirect_vreg.gather [hbm4b:s5+s3], $0x80, v4, vm0, $0xb8;
	[tilespmem:$0x18100] =	vst v63  }
0x164: {  	s26 =	simm.s32 $0x16100  }
0x165: {  	[tilespmem:s26], [sflag:$0x5] =	stream.indirect_vreg.gather [hbm4b:s6+s3], $0x80, v4, vm0, $0xb8;
	[tilespmem:$0x18100] =	vst v63  }
0x166: {  	s28 =	simm.s32 $0x16900  }
0x167: {  	[tilespmem:s28], [sflag:$0x5] =	stream.indirect_vreg.gather [hbm4b:s1+s3], $0x80, v3, vm0, $0xb8;
	[tilespmem:$0x18100] =	vst v63  }
0x168: {  	s26 =	simm.s32 $0x17100  }
0x169: {  	[tilespmem:s26], [sflag:$0x5] =	stream.indirect_vreg.gather [hbm4b:s5+s3], $0x80, v3, vm0, $0xb8;
	[tilespmem:$0x18100] =	vst v63  }
0x16a: {  	s28 =	simm.s32 $0x17900  }
0x16b: {  	[tilespmem:s28], [sflag:$0x5] =	stream.indirect_vreg.gather [hbm4b:s6+s3], $0x80, v3, vm0, $0xb8;
	[tilespmem:$0x18100] =	vst v63  }
0x16c: {  	_ =	swait.ge [sflag:s0], $0x6000  }
0x16d: {  	[sflag:s0] =	ssyncset.done $0x0  }
0x16e: {  	s28 =	simm.s32 $0x100;
	s14 =	rddreg [dreg:$0x9];
	[sflag:s0] =	ssyncadd.s32 $0xFFFFA000  }
0x16f: {  	[hbm4b:s14+s3] =	stream.linear.scatter [tilespmem:s28], [sflag:$0x6], $0x6000, $0x38;
	[tilespmem:$0x18100] =	vst v63  }
0x170: {  	_ =	swait.ge [sflag:s9], $0x6000  }
0x171: {  	[sflag:s9] =	ssyncset.done $0x0  }
0x172: {  	s7 =	simm.s32 $0x6100;
	s0 =	rddreg [dreg:$0xa];
	[sflag:s9] =	ssyncadd.s32 $0xFFFFA000  }
0x173: {  	[hbm4b:s0+s3] =	stream.linear.scatter [tilespmem:s7], [sflag:$0x7], $0x6000, $0x38;
	[tilespmem:$0x18100] =	vst v63  }
0x174: {  	_ =	swait.ge [sflag:s4], $0x6000  }
0x175: {  	[sflag:s4] =	ssyncset.done $0x0  }
0x176: {  	s14 =	rddreg [dreg:$0xb];
	[sflag:s4] =	ssyncadd.s32 $0xFFFFA000  }
0x177: {  	[hbm4b:s14+s3] =	stream.linear.scatter [tilespmem:s23], [sflag:$0x8], $0x6000, $0x38;
	[tilespmem:$0x18100] =	vst v63  }
0x178: {  	_ =	swait.ge [sflag:s12], $0x6000  }
0x179: {  	[sflag:s12] =	ssyncset.done $0x0  }
0x17a: {  	s28 =	rddreg [dreg:$0xc];
	[sflag:s12] =	ssyncadd.s32 $0xFFFFA000  }
0x17b: {  	[hbm4b:s28+s3] =	stream.linear.scatter [tilespmem:s2], [sflag:$0x9], $0x6000, $0x38;
	[tilespmem:$0x18100] =	vst v63  }
0x17c: {  	_ =	swait.ge [sflag:s8], $0x6000  }
0x17d: {  	[sflag:s8] =	ssyncset.done $0x0  }
0x17e: {  	[sflag:s8] =	ssyncadd.s32 $0xFFFFA000  }
0x17f: {  	_ =	swait.ge [sflag:s10], $0x6000  }
0x180: {  	[sflag:s10] =	ssyncset.done $0x0  }
0x181: {  	[sflag:s10] =	ssyncadd.s32 $0xFFFFA000  }
0x182: {  	p0 =	sne.s32 s15, $0x1;
	_ =	swait.ge [sflag:s11], $0x6000  }
.Ltmp0:
0x183: {  	[sflag:s11] =	ssyncset.done $0x0;
	(pc) =	sbr.rel @p0 .LBB2_1-.Ltmp0, $4  }
0x184: {  	[sflag:s11] =	ssyncadd.s32 $0xFFFFA000  }
0x185: {  	_ =	swait.ge [sflag:s13], $0x6000  }
0x186: {  	[sflag:s13] =	ssyncset.done $0x0  }
0x187: {  	s15 =	sadd.s32 $0xFFFFFFFF, s15;
	[sflag:s13] =	ssyncadd.s32 $0xFFFFA000  }
0x188: {  	_ =	sfence.sel $0x180000  }
0x189: {  	[bflag:$0x0] =	sbarrier.arrive $0xFFFF  }
0x18a: {  	_ =	strace $0x90000047  }
0x18b: {  	s0 =	stileid.u32;
	[bflag:$0x2] =	sbarrier.arrive $0xFFFF  }
0x18c: {  	p0 =	sne.s32 s0, $0x0;
	s0 =	rddreg [dreg:$0x3]  }
0x18d: {  	s0 =	sadd.s32 @!p0 $0x100000, s0  }
0x18e: {  	[sflag:s0] =	ssyncadd.tile.s32 @!p0 $0x1;
	_ =	shalt  }
.Lfunc_end2:
_tile_overlayer_lowered:
.L_overlay_start_2:
0x18f: {  	(tag) =	ssettag $0x2  }
0x190: {  	s0 =	rddreg [dreg:$0x0];
	s2 =	stileid.u32  }
0x191: {  	s1 =	rddreg [dreg:$0x1];
	p0 =	sne.s32 s2, $0x0  }
0x192: {  	s3 =	rddreg [dreg:$0x2];
	[bflag:$0x3] =	sbarrier.arrive $0xFFFF;
	s2 =	simm.s32 @!p0 $0x1C0A  }
0x193: {  	[timem:s3], [sflag:s2] =	dma.local @!p0 [hbm:s0], s1  }
0x194: {  	s0 =	simm.s32 @!p0 $0xA  }
0x195: {  	_ =	swait.ge @!p0 [sflag:s0], s1  }
0x196: {  	s1 =	ssub.s32 @!p0 $0x0, s1;
	[sflag:s0] =	ssyncset.done @!p0 $0x0  }
0x197: {  	[sflag:s0] =	ssyncadd.s32 @!p0 s1  }
0x198: {  	[bflag:$0x3] =	sbarrier.arrive $0xFFFF  }
0x199: {  	_ =	shalt  }

</sc_bundles>
